<compile_context>
chip_gen: v7x
topology: tpu7x:2x2x1
jax: 0.10.2.dev20260603
libtpu: 0.0.44.dev20260713+nightly
codegen_flags: <defaults>
</compile_context>

<pallas_src>
import functools

import jax
import jax.numpy as jnp
from jax import lax
from jax.experimental import pallas as pl
from jax.experimental.pallas import tpu as pltpu
from jax.experimental.pallas import tpu_sc as plsc

N_NODES = 10000
N_EDGES = 320000

NC, NS, LANES = 2, 16, 16
NW = NC * NS
CHUNK = 128
EPAD = 327680
NCHUNKS = EPAD // CHUNK
NPAD = 10112
ROWS_PER_SUB = NPAD // NS

_sc_mesh = plsc.VectorSubcoreMesh(
    core_axis_name="c", subcore_axis_name="s", num_cores=NC, num_subcores=NS
)

_untiled = pltpu.CompilerParams(use_tc_tiling_on_sc=False)


def _sub_slice(ref, s):
    return ref.at[pl.ds(s * ROWS_PER_SUB, ROWS_PER_SUB)]


DEG_CH = NCHUNKS // NW

@functools.partial(
    pl.kernel,
    out_type=jax.ShapeDtypeStruct((NPAD, 4 * LANES), jnp.float32),
    mesh=_sc_mesh,
    compiler_params=_untiled,
    scratch_types=[
        pltpu.VMEM((DEG_CH, CHUNK), jnp.int32),
        pltpu.VMEM((DEG_CH, CHUNK), jnp.int32),
        pltpu.VMEM((CHUNK, LANES), jnp.float32),
        pltpu.VMEM_SHARED((NPAD, LANES), jnp.float32),
        pltpu.VMEM_SHARED((NPAD, LANES), jnp.float32),
        pltpu.SemaphoreType.DMA,
        pltpu.SemaphoreType.DMA,
    ],
)
def _sc_degrees(src_hbm, dst_hbm, ones_hbm, zeros_hbm, deg_out,
                src_v, dst_v, ones_v, dego_sh, degi_sh, dsem, isem):
    c = lax.axis_index("c")
    s = lax.axis_index("s")
    base = (c * NS + s) * DEG_CH
    pltpu.sync_copy(src_hbm.at[pl.ds(base, DEG_CH)], src_v)
    pltpu.sync_copy(dst_hbm.at[pl.ds(base, DEG_CH)], dst_v)
    pltpu.sync_copy(ones_hbm, ones_v)
    pltpu.sync_copy(_sub_slice(zeros_hbm, s), _sub_slice(dego_sh, s))
    pltpu.sync_copy(_sub_slice(zeros_hbm, s), _sub_slice(degi_sh, s))
    plsc.subcore_barrier()

    @pl.loop(0, DEG_CH)
    def _(j):
        o_cp = pltpu.make_async_copy(ones_v, dego_sh.at[src_v.at[j]], dsem)
        i_cp = pltpu.make_async_copy(ones_v, degi_sh.at[dst_v.at[j]], isem)
        o_cp.start(add=True)
        i_cp.start(add=True)
        o_cp.wait()
        i_cp.wait()

    plsc.subcore_barrier()
    rows = pl.ds(s * ROWS_PER_SUB, ROWS_PER_SUB)
    pltpu.sync_copy(_sub_slice(dego_sh, s),
                    deg_out.at[rows, pl.ds(c * LANES, LANES)])
    pltpu.sync_copy(_sub_slice(degi_sh, s),
                    deg_out.at[rows, pl.ds(2 * LANES + c * LANES, LANES)])


def _make_sc_edge_pass(feature_split):
    n_ch = NCHUNKS // NS if feature_split else NCHUNKS // NW
    Fh = 64

    @functools.partial(
        pl.kernel,
        out_type=(jax.ShapeDtypeStruct((NPAD, Fh), jnp.float32),
                  jax.ShapeDtypeStruct((NPAD, Fh), jnp.float32)),
        mesh=_sc_mesh,
        compiler_params=_untiled,
        scratch_types=[
            pltpu.VMEM((n_ch, CHUNK), jnp.int32),
            pltpu.VMEM((n_ch, CHUNK), jnp.int32),
            pltpu.VMEM((CHUNK, Fh), jnp.float32),
            pltpu.VMEM((CHUNK, Fh), jnp.float32),
            pltpu.VMEM_SHARED((NPAD, Fh), jnp.float32),
            pltpu.SemaphoreType.DMA,
            pltpu.SemaphoreType.DMA,
            pltpu.SemaphoreType.DMA,
            pltpu.SemaphoreType.DMA,
        ],
    )
    def edge_pass(h_hbm, src_hbm, dst_hbm, zeros_hbm, out0, out1,
                  src_v, dst_v, rows_a, rows_b, agg_sh,
                  gsem_a, gsem_b, ssem_a, ssem_b):
        c = lax.axis_index("c")
        s = lax.axis_index("s")
        if feature_split:
            src_base = c * NCHUNKS + s * n_ch
            dst_base = s * n_ch
        else:
            src_base = dst_base = (c * NS + s) * n_ch
        pltpu.sync_copy(src_hbm.at[pl.ds(src_base, n_ch)], src_v)
        pltpu.sync_copy(dst_hbm.at[pl.ds(dst_base, n_ch)], dst_v)
        pltpu.sync_copy(_sub_slice(zeros_hbm, s), _sub_slice(agg_sh, s))
        plsc.subcore_barrier()

        def gather(j, buf, sem):
            return pltpu.make_async_copy(h_hbm.at[src_v.at[j]], buf, sem)

        def scat(j, buf, sem):
            return pltpu.make_async_copy(buf, agg_sh.at[dst_v.at[j]], sem)

        def stage(j, buf, gsem, ssem):
            gather(j, buf, gsem).wait()
            scat(j, buf, ssem).start(add=True)

        gather(0, rows_a, gsem_a).start()

        @pl.loop(0, n_ch // 2 - 1)
        def _(i):
            j = 2 * i
            stage(j, rows_a, gsem_a, ssem_a)
            gather(j + 1, rows_b, gsem_b).start()
            stage(j + 1, rows_b, gsem_b, ssem_b)
            scat(j, rows_a, ssem_a).wait()
            gather(j + 2, rows_a, gsem_a).start()
            scat(j + 1, rows_b, ssem_b).wait()

        j = n_ch - 2
        stage(j, rows_a, gsem_a, ssem_a)
        gather(j + 1, rows_b, gsem_b).start()
        stage(j + 1, rows_b, gsem_b, ssem_b)
        scat(j, rows_a, ssem_a).wait()
        scat(j + 1, rows_b, ssem_b).wait()

        plsc.subcore_barrier()

        @pl.when(c == 0)
        def _():
            pltpu.sync_copy(_sub_slice(agg_sh, s), _sub_slice(out0, s))

        @pl.when(c == 1)
        def _():
            pltpu.sync_copy(_sub_slice(agg_sh, s), _sub_slice(out1, s))

    return edge_pass


_sc_edge_pass_l2 = _make_sc_edge_pass(False)


L1_NCH = NCHUNKS // NW
L1_NB = 10
L1_BCH = L1_NCH // L1_NB


@functools.partial(
    pl.kernel,
    out_type=(jax.ShapeDtypeStruct((NPAD, 128), jnp.float32),
              jax.ShapeDtypeStruct((NPAD, 128), jnp.float32)),
    mesh=_sc_mesh,
    scratch_types=[
        pltpu.VMEM((2, L1_BCH, CHUNK), jnp.int32),
        pltpu.VMEM((2, L1_BCH, CHUNK), jnp.int32),
        pltpu.VMEM((CHUNK, 128), jnp.float32),
        pltpu.VMEM((CHUNK, 128), jnp.float32),
        pltpu.VMEM_SHARED((NPAD, 128), jnp.float32),
        pltpu.SemaphoreType.DMA,
        pltpu.SemaphoreType.DMA,
        pltpu.SemaphoreType.DMA,
        pltpu.SemaphoreType.DMA,
        pltpu.SemaphoreType.DMA,
    ],
)
def _sc_edge_pass_l1(h_hbm, src_hbm, dst_hbm, zeros_hbm, out0, out1,
                     src_v, dst_v, rows_a, rows_b, agg_sh,
                     gsem_a, gsem_b, ssem_a, ssem_b, xsem):
    c = lax.axis_index("c")
    s = lax.axis_index("s")
    base = (c * NS + s) * L1_NCH

    def idx_cp(b, slot):
        return (
            pltpu.make_async_copy(
                src_hbm.at[pl.ds(base + b * L1_BCH, L1_BCH)],
                src_v.at[slot], xsem),
            pltpu.make_async_copy(
                dst_hbm.at[pl.ds(base + b * L1_BCH, L1_BCH)],
                dst_v.at[slot], xsem),
        )

    def gather(slot, k, buf, sem):
        return pltpu.make_async_copy(h_hbm.at[src_v.at[slot, k]], buf, sem)

    def scat(slot, k, buf, sem):
        return pltpu.make_async_copy(buf, agg_sh.at[dst_v.at[slot, k]], sem)

    a, b0 = idx_cp(0, 0)
    a.start()
    b0.start()
    a.wait()
    b0.wait()
    pltpu.sync_copy(_sub_slice(zeros_hbm, s), _sub_slice(agg_sh, s))
    plsc.subcore_barrier()
    for cp in idx_cp(1, 1):
        cp.start()
    gather(0, 0, rows_a, gsem_a).start()

    def pair(slot, k, lookahead):
        gather(slot, k, rows_a, gsem_a).wait()
        scat(slot, k, rows_a, ssem_a).start(add=True)
        gather(slot, k + 1, rows_b, gsem_b).start()
        gather(slot, k + 1, rows_b, gsem_b).wait()
        scat(slot, k + 1, rows_b, ssem_b).start(add=True)
        scat(slot, k, rows_a, ssem_a).wait()
        if lookahead:
            gather(slot, k + 2, rows_a, gsem_a).start()
        scat(slot, k + 1, rows_b, ssem_b).wait()

    @pl.loop(0, L1_NB)
    def _(b):
        slot = lax.rem(b, 2)
        nslot = lax.rem(b + 1, 2)

        @pl.loop(0, L1_BCH // 2 - 1)
        def _(i):
            pair(slot, 2 * i, True)

        pair(slot, L1_BCH - 2, False)

        @pl.when(b < L1_NB - 1)
        def _():
            for cp in idx_cp(b + 1, nslot):
                cp.wait()
            gather(nslot, 0, rows_a, gsem_a).start()

            @pl.when(b < L1_NB - 2)
            def _():
                for cp in idx_cp(b + 2, slot):
                    cp.start()

    plsc.subcore_barrier()

    @pl.when(c == 0)
    def _():
        pltpu.sync_copy(_sub_slice(agg_sh, s), _sub_slice(out0, s))

    @pl.when(c == 1)
    def _():
        pltpu.sync_copy(_sub_slice(agg_sh, s), _sub_slice(out1, s))


GRID = 8
BLK = NPAD // GRID


def _rs_out(deg):
    d = deg[:, :LANES] + deg[:, LANES:2 * LANES]
    return lax.rsqrt(jnp.maximum(d[:, :1], 1.0))


def _rs_in(deg):
    d = deg[:, 2 * LANES:3 * LANES] + deg[:, 3 * LANES:]
    return lax.rsqrt(jnp.maximum(d[:, :1], 1.0))


def _tc_layer1(x_ref, w_ref, deg_ref, o_ref):
    h = jnp.dot(x_ref[...], w_ref[...], preferred_element_type=jnp.float32)
    o_ref[...] = h * _rs_out(deg_ref[...])


def _tc_mid(a0_ref, a1_ref, deg_ref, b1_ref, w_ref, o_ref):
    a = a0_ref[...] + a1_ref[...]
    deg = deg_ref[...]
    h = jnp.maximum(a * _rs_in(deg) + b1_ref[...], 0.0)
    o_ref[...] = jnp.dot(h, w_ref[...],
                         preferred_element_type=jnp.float32) * _rs_out(deg)


def _tc_final(p0_ref, p1_ref, deg_ref, b2_ref, o_ref):
    a = p0_ref[...] + p1_ref[...]
    o_ref[...] = a * _rs_in(deg_ref[...]) + b2_ref[...]


def _blk(width, index_map=lambda i: (i, 0)):
    return pl.BlockSpec((BLK, width), index_map)


def _full_spec(r, cw):
    return pl.BlockSpec((r, cw), lambda *_: (0, 0))


def kernel(x, edge_index, W1, b1, W2, b2):
    f32 = jnp.float32
    src = edge_index[0].astype(jnp.int32)
    dst = edge_index[1].astype(jnp.int32)
    pad = N_NODES + (jnp.arange(EPAD - N_EDGES, dtype=jnp.int32)
                     % (NPAD - N_NODES))
    src2d = jnp.concatenate([src, pad]).reshape(NCHUNKS, CHUNK)
    dst2d = jnp.concatenate([dst, pad]).reshape(NCHUNKS, CHUNK)
    ones16 = jnp.ones((CHUNK, LANES), f32)
    zeros16 = jnp.zeros((NPAD, LANES), f32)
    zeros64 = jnp.zeros((NPAD, 64), f32)
    zeros128 = jnp.zeros((NPAD, 128), f32)

    deg = _sc_degrees(src2d, dst2d, ones16, zeros16)

    h1 = pl.pallas_call(
        _tc_layer1,
        grid=(GRID,),
        in_specs=[_blk(128), _full_spec(128, 128), _blk(4 * LANES)],
        out_specs=_blk(128),
        out_shape=jax.ShapeDtypeStruct((NPAD, 128), f32),
    )(x, W1, deg)

    a0, a1 = _sc_edge_pass_l1(h1, src2d, dst2d, zeros128)

    h2 = pl.pallas_call(
        _tc_mid,
        grid=(GRID,),
        in_specs=[_blk(128), _blk(128), _blk(4 * LANES),
                  _full_spec(1, 128), _full_spec(128, 64)],
        out_specs=_blk(64),
        out_shape=jax.ShapeDtypeStruct((NPAD, 64), f32),
    )(a0, a1, deg, b1.reshape(1, 128), W2)

    p0, p1 = _sc_edge_pass_l2(h2, src2d, dst2d, zeros64)

    FBLK = 1000
    fblk = lambda w: pl.BlockSpec((FBLK, w), lambda i: (i, 0))
    out = pl.pallas_call(
        _tc_final,
        grid=(N_NODES // FBLK,),
        in_specs=[fblk(64), fblk(64), fblk(4 * LANES),
                  _full_spec(1, 64)],
        out_specs=fblk(64),
        out_shape=jax.ShapeDtypeStruct((N_NODES, 64), f32),
    )(p0, p1, deg, b2.reshape(1, 64))

    return out

# --- scband reference (transcript-rebuilt; emitter-appended) ---
"""Pipeline reference for scband-gcnmodel-20126216749771 (READ-ONLY COPY).

The authoritative reference and input builder live on the scoring server;
editing this copy changes nothing except your own understanding.
"""

import jax, jax.numpy as jnp
import numpy as np

N_NODES = 10000


def gcn_conv(x, src, dst, W, b, n_nodes):
    # DGL GraphConv with norm='both', allow_zero_in_degree=True:
    # h = D_in^{-1/2} * A * D_out^{-1/2} * (X W) + b, degrees clamped to min 1
    deg_out = jnp.clip(jnp.bincount(src, length=n_nodes), 1).astype(x.dtype)
    deg_in = jnp.clip(jnp.bincount(dst, length=n_nodes), 1).astype(x.dtype)
    h = x @ W
    h = h * jnp.power(deg_out, -0.5)[:, None]
    msg = jnp.take(h, src, axis=0)
    agg = jnp.zeros((n_nodes, h.shape[1]), dtype=x.dtype).at[dst].add(msg)
    agg = agg * jnp.power(deg_in, -0.5)[:, None]
    return agg + b


def setup_inputs(seed: int = 0) -> dict:
    key = jax.random.key(seed)
    k1, k2, k3, k4 = jax.random.split(key, 4)
    in_feats, hidden, num_classes = 128, 128, 64
    x = jax.random.normal(k1, (N_NODES, in_feats), dtype=jnp.float32)
    edge_index = jax.random.randint(k2, (2, 320000), 0, N_NODES, dtype=jnp.int64)
    glorot1 = (6.0 / (in_feats + hidden)) ** 0.5
    glorot2 = (6.0 / (hidden + num_classes)) ** 0.5
    W1 = jax.random.uniform(k3, (in_feats, hidden), jnp.float32, -glorot1, glorot1)
    b1 = jnp.zeros((hidden,), jnp.float32)
    W2 = jax.random.uniform(k4, (hidden, num_classes), jnp.float32, -glorot2, glorot2)
    b2 = jnp.zeros((num_classes,), jnp.float32)
    return {"x": x, "edge_index": edge_index, "W1": W1, "b1": b1, "W2": W2, "b2": b2}


def reference(x, edge_index, W1, b1, W2, b2):
    src = edge_index[0]
    dst = edge_index[1]
    h = gcn_conv(x, src, dst, W1, b1, N_NODES)
    h = jax.nn.relu(h)
    h = gcn_conv(h, src, dst, W2, b2, N_NODES)
    return h

if __name__ == "__main__":
    import jax
    _d = setup_inputs()
    print(jax.jit(kernel)(*tuple(_d.values())))

</pallas_src>

<mosaic_0001>
#map = affine_map<(d0, d1) -> (0, 0)>
module attributes {stable_mosaic.version = 14 : i64} {
  func.func @_sc_degrees(%arg0: i32, %arg1: i32, %arg2: memref<2560x128xi32, #tpu.memory_space<hbm>>, %arg3: memref<2560x128xi32, #tpu.memory_space<hbm>>, %arg4: memref<128x16xf32, #tpu.memory_space<hbm>>, %arg5: memref<10112x16xf32, #tpu.memory_space<hbm>>, %arg6: memref<10112x64xf32, #tpu.memory_space<hbm>>, %arg7: memref<80x128xi32, #tpu.memory_space<vmem>>, %arg8: memref<80x128xi32, #tpu.memory_space<vmem>>, %arg9: memref<128x16xf32, #tpu.memory_space<vmem>>, %arg10: memref<10112x16xf32, #tpu.memory_space<vmem_shared>>, %arg11: memref<10112x16xf32, #tpu.memory_space<vmem_shared>>, %arg12: memref<!tpu.dma_semaphore, #tpu.memory_space<semaphore_mem>>, %arg13: memref<!tpu.dma_semaphore, #tpu.memory_space<semaphore_mem>>) attributes {dimension_semantics = [#tpu.dimension_semantics<core_parallel>, #tpu.dimension_semantics<subcore_parallel>], iteration_bounds = array<i64: 2, 16>, scalar_prefetch = 0 : i64, scratch_operands = 7 : i64, tpu.core_type = #tpu.core_type<sc_vector_subcore>, window_params = [{transform_indices = #map}, {transform_indices = #map}, {transform_indices = #map}, {transform_indices = #map}, {transform_indices = #map}]} {
    %mul3A = arith.constant 16 : i32
    %mul3A_0 = arith.muli %arg0, %mul3A : i32
    %add3A = arith.addi %mul3A_0, %arg1 : i32
    %mul3A_1 = arith.constant 80 : i32
    %mul3A_2 = arith.muli %add3A, %mul3A_1 : i32
    "tpu.region"() ({
      %run_scoped3A = tpu.sem_alloc : memref<!tpu.dma_semaphore, #tpu.memory_space<semaphore_mem>>
      %dma_start3A = arith.constant 0 : i32
      %dma_start3A_28 = tpu.memref_slice %arg2[%mul3A_2, %dma_start3A] : memref<2560x128xi32, #tpu.memory_space<hbm>> -> memref<80x128xi32, #tpu.memory_space<hbm>>
      %dma_start3A_29 = arith.constant 0 : i32
      %dma_start3A_30 = tpu.memref_slice %arg2[%mul3A_2, %dma_start3A_29] : memref<2560x128xi32, #tpu.memory_space<hbm>> -> memref<80x128xi32, #tpu.memory_space<hbm>>
      tpu.enqueue_dma source(%dma_start3A_30 : memref<80x128xi32, #tpu.memory_space<hbm>>) target(%arg7 : memref<80x128xi32, #tpu.memory_space<vmem>>) target_semaphore(%run_scoped3A : memref<!tpu.dma_semaphore, #tpu.memory_space<semaphore_mem>>)
      %dma_wait3A = arith.constant 0 : i32
      %dma_wait3A_31 = tpu.memref_slice %arg2[%mul3A_2, %dma_wait3A] : memref<2560x128xi32, #tpu.memory_space<hbm>> -> memref<80x128xi32, #tpu.memory_space<hbm>>
      %dma_wait3A_32 = arith.constant 0 : i32
      %dma_wait3A_33 = tpu.memref_slice %arg2[%mul3A_2, %dma_wait3A_32] : memref<2560x128xi32, #tpu.memory_space<hbm>> -> memref<80x128xi32, #tpu.memory_space<hbm>>
      tpu.wait_dma2 semaphore(%run_scoped3A : memref<!tpu.dma_semaphore, #tpu.memory_space<semaphore_mem>>) src(%dma_wait3A_33 : memref<80x128xi32, #tpu.memory_space<hbm>>) dst(%arg7 : memref<80x128xi32, #tpu.memory_space<vmem>>)
      tpu.yield
    }) : () -> ()
    "tpu.region"() ({
      %run_scoped3A = tpu.sem_alloc : memref<!tpu.dma_semaphore, #tpu.memory_space<semaphore_mem>>
      %dma_start3A = arith.constant 0 : i32
      %dma_start3A_28 = tpu.memref_slice %arg3[%mul3A_2, %dma_start3A] : memref<2560x128xi32, #tpu.memory_space<hbm>> -> memref<80x128xi32, #tpu.memory_space<hbm>>
      %dma_start3A_29 = arith.constant 0 : i32
      %dma_start3A_30 = tpu.memref_slice %arg3[%mul3A_2, %dma_start3A_29] : memref<2560x128xi32, #tpu.memory_space<hbm>> -> memref<80x128xi32, #tpu.memory_space<hbm>>
      tpu.enqueue_dma source(%dma_start3A_30 : memref<80x128xi32, #tpu.memory_space<hbm>>) target(%arg8 : memref<80x128xi32, #tpu.memory_space<vmem>>) target_semaphore(%run_scoped3A : memref<!tpu.dma_semaphore, #tpu.memory_space<semaphore_mem>>)
      %dma_wait3A = arith.constant 0 : i32
      %dma_wait3A_31 = tpu.memref_slice %arg3[%mul3A_2, %dma_wait3A] : memref<2560x128xi32, #tpu.memory_space<hbm>> -> memref<80x128xi32, #tpu.memory_space<hbm>>
      %dma_wait3A_32 = arith.constant 0 : i32
      %dma_wait3A_33 = tpu.memref_slice %arg3[%mul3A_2, %dma_wait3A_32] : memref<2560x128xi32, #tpu.memory_space<hbm>> -> memref<80x128xi32, #tpu.memory_space<hbm>>
      tpu.wait_dma2 semaphore(%run_scoped3A : memref<!tpu.dma_semaphore, #tpu.memory_space<semaphore_mem>>) src(%dma_wait3A_33 : memref<80x128xi32, #tpu.memory_space<hbm>>) dst(%arg8 : memref<80x128xi32, #tpu.memory_space<vmem>>)
      tpu.yield
    }) : () -> ()
    "tpu.region"() ({
      %run_scoped3A = tpu.sem_alloc : memref<!tpu.dma_semaphore, #tpu.memory_space<semaphore_mem>>
      tpu.enqueue_dma source(%arg4 : memref<128x16xf32, #tpu.memory_space<hbm>>) target(%arg9 : memref<128x16xf32, #tpu.memory_space<vmem>>) target_semaphore(%run_scoped3A : memref<!tpu.dma_semaphore, #tpu.memory_space<semaphore_mem>>)
      tpu.wait_dma2 semaphore(%run_scoped3A : memref<!tpu.dma_semaphore, #tpu.memory_space<semaphore_mem>>) src(%arg4 : memref<128x16xf32, #tpu.memory_space<hbm>>) dst(%arg9 : memref<128x16xf32, #tpu.memory_space<vmem>>)
      tpu.yield
    }) : () -> ()
    %mul3A_3 = arith.constant 632 : i32
    %mul3A_4 = arith.muli %arg1, %mul3A_3 : i32
    %mul3A_5 = arith.constant 632 : i32
    %mul3A_6 = arith.muli %arg1, %mul3A_5 : i32
    "tpu.region"() ({
      %run_scoped3A = tpu.sem_alloc : memref<!tpu.dma_semaphore, #tpu.memory_space<semaphore_mem>>
      %dma_start3A = arith.constant 0 : i32
      %dma_start3A_28 = tpu.memref_slice %arg10[%mul3A_6, %dma_start3A] : memref<10112x16xf32, #tpu.memory_space<vmem_shared>> -> memref<632x16xf32, #tpu.memory_space<vmem_shared>>
      %dma_start3A_29 = arith.constant 0 : i32
      %dma_start3A_30 = tpu.memref_slice %arg5[%mul3A_4, %dma_start3A_29] : memref<10112x16xf32, #tpu.memory_space<hbm>> -> memref<632x16xf32, #tpu.memory_space<hbm>>
      tpu.enqueue_dma source(%dma_start3A_30 : memref<632x16xf32, #tpu.memory_space<hbm>>) target(%dma_start3A_28 : memref<632x16xf32, #tpu.memory_space<vmem_shared>>) target_semaphore(%run_scoped3A : memref<!tpu.dma_semaphore, #tpu.memory_space<semaphore_mem>>)
      %dma_wait3A = arith.constant 0 : i32
      %dma_wait3A_31 = tpu.memref_slice %arg10[%mul3A_6, %dma_wait3A] : memref<10112x16xf32, #tpu.memory_space<vmem_shared>> -> memref<632x16xf32, #tpu.memory_space<vmem_shared>>
      %dma_wait3A_32 = arith.constant 0 : i32
      %dma_wait3A_33 = tpu.memref_slice %arg5[%mul3A_4, %dma_wait3A_32] : memref<10112x16xf32, #tpu.memory_space<hbm>> -> memref<632x16xf32, #tpu.memory_space<hbm>>
      tpu.wait_dma2 semaphore(%run_scoped3A : memref<!tpu.dma_semaphore, #tpu.memory_space<semaphore_mem>>) src(%dma_wait3A_33 : memref<632x16xf32, #tpu.memory_space<hbm>>) dst(%dma_wait3A_31 : memref<632x16xf32, #tpu.memory_space<vmem_shared>>)
      tpu.yield
    }) : () -> ()
    %mul3A_7 = arith.constant 632 : i32
    %mul3A_8 = arith.muli %arg1, %mul3A_7 : i32
    %mul3A_9 = arith.constant 632 : i32
    %mul3A_10 = arith.muli %arg1, %mul3A_9 : i32
    "tpu.region"() ({
      %run_scoped3A = tpu.sem_alloc : memref<!tpu.dma_semaphore, #tpu.memory_space<semaphore_mem>>
      %dma_start3A = arith.constant 0 : i32
      %dma_start3A_28 = tpu.memref_slice %arg11[%mul3A_10, %dma_start3A] : memref<10112x16xf32, #tpu.memory_space<vmem_shared>> -> memref<632x16xf32, #tpu.memory_space<vmem_shared>>
      %dma_start3A_29 = arith.constant 0 : i32
      %dma_start3A_30 = tpu.memref_slice %arg5[%mul3A_8, %dma_start3A_29] : memref<10112x16xf32, #tpu.memory_space<hbm>> -> memref<632x16xf32, #tpu.memory_space<hbm>>
      tpu.enqueue_dma source(%dma_start3A_30 : memref<632x16xf32, #tpu.memory_space<hbm>>) target(%dma_start3A_28 : memref<632x16xf32, #tpu.memory_space<vmem_shared>>) target_semaphore(%run_scoped3A : memref<!tpu.dma_semaphore, #tpu.memory_space<semaphore_mem>>)
      %dma_wait3A = arith.constant 0 : i32
      %dma_wait3A_31 = tpu.memref_slice %arg11[%mul3A_10, %dma_wait3A] : memref<10112x16xf32, #tpu.memory_space<vmem_shared>> -> memref<632x16xf32, #tpu.memory_space<vmem_shared>>
      %dma_wait3A_32 = arith.constant 0 : i32
      %dma_wait3A_33 = tpu.memref_slice %arg5[%mul3A_8, %dma_wait3A_32] : memref<10112x16xf32, #tpu.memory_space<hbm>> -> memref<632x16xf32, #tpu.memory_space<hbm>>
      tpu.wait_dma2 semaphore(%run_scoped3A : memref<!tpu.dma_semaphore, #tpu.memory_space<semaphore_mem>>) src(%dma_wait3A_33 : memref<632x16xf32, #tpu.memory_space<hbm>>) dst(%dma_wait3A_31 : memref<632x16xf32, #tpu.memory_space<vmem_shared>>)
      tpu.yield
    }) : () -> ()
    %barrier3A = arith.constant 0 : index
    tpu.barrier barrier_id(%barrier3A)
    %scan3A = arith.constant 0 : i32
    %scan3A_11 = arith.constant 80 : i32
    %scan3A_12 = arith.addi %scan3A, %scan3A_11 : i32
    %scan3A_13 = arith.constant 1 : i32
    scf.for %scan3A_28 = %scan3A to %scan3A_12 step %scan3A_13  : i32 {
      %mul3A_29 = arith.constant 1 : i32
      %mul3A_30 = arith.muli %scan3A_28, %mul3A_29 : i32
      %add3A_31 = arith.constant 0 : i32
      %add3A_32 = arith.addi %add3A_31, %mul3A_30 : i32
      %dma_start3A = arith.constant 0 : i32
      %dma_start3A_33 = tpu.memref_slice %arg7[%add3A_32, %dma_start3A] : memref<80x128xi32, #tpu.memory_space<vmem>> -> memref<1x128xi32, #tpu.memory_space<vmem>>
      %dma_start3A_34 = tpu.memref_squeeze %dma_start3A_33 : memref<1x128xi32, #tpu.memory_space<vmem>> -> memref<128xi32, #tpu.memory_space<vmem>>
      %dma_start3A_35 = arith.constant 0 : i32
      %dma_start3A_36 = arith.constant 0 : i32
      %dma_start3A_37 = tpu.memref_slice %arg10[%dma_start3A_35, %dma_start3A_36] : memref<10112x16xf32, #tpu.memory_space<vmem_shared>> -> memref<10112x16xf32, #tpu.memory_space<vmem_shared>>
      tpu.enqueue_indirect_dma source(%arg9 : memref<128x16xf32, #tpu.memory_space<vmem>>) target(%dma_start3A_37 : memref<10112x16xf32, #tpu.memory_space<vmem_shared>>) offsets(%dma_start3A_34 : memref<128xi32, #tpu.memory_space<vmem>>) semaphore(%arg12 : memref<!tpu.dma_semaphore, #tpu.memory_space<semaphore_mem>>) {add = true}
      %dma_start3A_38 = arith.constant 0 : i32
      %dma_start3A_39 = tpu.memref_slice %arg8[%add3A_32, %dma_start3A_38] : memref<80x128xi32, #tpu.memory_space<vmem>> -> memref<1x128xi32, #tpu.memory_space<vmem>>
      %dma_start3A_40 = tpu.memref_squeeze %dma_start3A_39 : memref<1x128xi32, #tpu.memory_space<vmem>> -> memref<128xi32, #tpu.memory_space<vmem>>
      %dma_start3A_41 = arith.constant 0 : i32
      %dma_start3A_42 = arith.constant 0 : i32
      %dma_start3A_43 = tpu.memref_slice %arg11[%dma_start3A_41, %dma_start3A_42] : memref<10112x16xf32, #tpu.memory_space<vmem_shared>> -> memref<10112x16xf32, #tpu.memory_space<vmem_shared>>
      tpu.enqueue_indirect_dma source(%arg9 : memref<128x16xf32, #tpu.memory_space<vmem>>) target(%dma_start3A_43 : memref<10112x16xf32, #tpu.memory_space<vmem_shared>>) offsets(%dma_start3A_40 : memref<128xi32, #tpu.memory_space<vmem>>) semaphore(%arg13 : memref<!tpu.dma_semaphore, #tpu.memory_space<semaphore_mem>>) {add = true}
      %dma_wait3A = arith.constant 0 : i32
      %dma_wait3A_44 = tpu.memref_slice %arg7[%add3A_32, %dma_wait3A] : memref<80x128xi32, #tpu.memory_space<vmem>> -> memref<1x128xi32, #tpu.memory_space<vmem>>
      %dma_wait3A_45 = tpu.memref_squeeze %dma_wait3A_44 : memref<1x128xi32, #tpu.memory_space<vmem>> -> memref<128xi32, #tpu.memory_space<vmem>>
      %dma_wait3A_46 = arith.constant 0 : i32
      %dma_wait3A_47 = arith.constant 0 : i32
      %dma_wait3A_48 = tpu.memref_slice %arg10[%dma_wait3A_46, %dma_wait3A_47] : memref<10112x16xf32, #tpu.memory_space<vmem_shared>> -> memref<10112x16xf32, #tpu.memory_space<vmem_shared>>
      tpu.wait_indirect_dma semaphore(%arg12 : memref<!tpu.dma_semaphore, #tpu.memory_space<semaphore_mem>>) src(%arg9 : memref<128x16xf32, #tpu.memory_space<vmem>>) dst(%dma_wait3A_48 : memref<10112x16xf32, #tpu.memory_space<vmem_shared>>)
      %dma_wait3A_49 = arith.constant 0 : i32
      %dma_wait3A_50 = tpu.memref_slice %arg8[%add3A_32, %dma_wait3A_49] : memref<80x128xi32, #tpu.memory_space<vmem>> -> memref<1x128xi32, #tpu.memory_space<vmem>>
      %dma_wait3A_51 = tpu.memref_squeeze %dma_wait3A_50 : memref<1x128xi32, #tpu.memory_space<vmem>> -> memref<128xi32, #tpu.memory_space<vmem>>
      %dma_wait3A_52 = arith.constant 0 : i32
      %dma_wait3A_53 = arith.constant 0 : i32
      %dma_wait3A_54 = tpu.memref_slice %arg11[%dma_wait3A_52, %dma_wait3A_53] : memref<10112x16xf32, #tpu.memory_space<vmem_shared>> -> memref<10112x16xf32, #tpu.memory_space<vmem_shared>>
      tpu.wait_indirect_dma semaphore(%arg13 : memref<!tpu.dma_semaphore, #tpu.memory_space<semaphore_mem>>) src(%arg9 : memref<128x16xf32, #tpu.memory_space<vmem>>) dst(%dma_wait3A_54 : memref<10112x16xf32, #tpu.memory_space<vmem_shared>>)
    }
    %scan3A_14 = arith.constant 80 : i32
    %barrier3A_15 = arith.constant 0 : index
    tpu.barrier barrier_id(%barrier3A_15)
    %mul3A_16 = arith.constant 632 : i32
    %mul3A_17 = arith.muli %arg1, %mul3A_16 : i32
    %mul3A_18 = arith.constant 632 : i32
    %mul3A_19 = arith.muli %arg1, %mul3A_18 : i32
    %mul3A_20 = arith.constant 16 : i32
    %mul3A_21 = arith.muli %arg0, %mul3A_20 : i32
    "tpu.region"() ({
      %run_scoped3A = tpu.sem_alloc : memref<!tpu.dma_semaphore, #tpu.memory_space<semaphore_mem>>
      %dma_start3A = tpu.memref_slice %arg6[%mul3A_17, %mul3A_21] : memref<10112x64xf32, #tpu.memory_space<hbm>> -> memref<632x16xf32, #tpu.memory_space<hbm>>
      %dma_start3A_28 = arith.constant 0 : i32
      %dma_start3A_29 = tpu.memref_slice %arg10[%mul3A_19, %dma_start3A_28] : memref<10112x16xf32, #tpu.memory_space<vmem_shared>> -> memref<632x16xf32, #tpu.memory_space<vmem_shared>>
      tpu.enqueue_dma source(%dma_start3A_29 : memref<632x16xf32, #tpu.memory_space<vmem_shared>>) target(%dma_start3A : memref<632x16xf32, #tpu.memory_space<hbm>>) target_semaphore(%run_scoped3A : memref<!tpu.dma_semaphore, #tpu.memory_space<semaphore_mem>>)
      %dma_wait3A = tpu.memref_slice %arg6[%mul3A_17, %mul3A_21] : memref<10112x64xf32, #tpu.memory_space<hbm>> -> memref<632x16xf32, #tpu.memory_space<hbm>>
      %dma_wait3A_30 = arith.constant 0 : i32
      %dma_wait3A_31 = tpu.memref_slice %arg10[%mul3A_19, %dma_wait3A_30] : memref<10112x16xf32, #tpu.memory_space<vmem_shared>> -> memref<632x16xf32, #tpu.memory_space<vmem_shared>>
      tpu.wait_dma2 semaphore(%run_scoped3A : memref<!tpu.dma_semaphore, #tpu.memory_space<semaphore_mem>>) src(%dma_wait3A_31 : memref<632x16xf32, #tpu.memory_space<vmem_shared>>) dst(%dma_wait3A : memref<632x16xf32, #tpu.memory_space<hbm>>)
      tpu.yield
    }) : () -> ()
    %mul3A_22 = arith.constant 632 : i32
    %mul3A_23 = arith.muli %arg1, %mul3A_22 : i32
    %mul3A_24 = arith.constant 16 : i32
    %mul3A_25 = arith.muli %arg0, %mul3A_24 : i32
    %add3A_26 = arith.constant 32 : i32
    %add3A_27 = arith.addi %add3A_26, %mul3A_25 : i32
    "tpu.region"() ({
      %run_scoped3A = tpu.sem_alloc : memref<!tpu.dma_semaphore, #tpu.memory_space<semaphore_mem>>
      %dma_start3A = tpu.memref_slice %arg6[%mul3A_17, %add3A_27] : memref<10112x64xf32, #tpu.memory_space<hbm>> -> memref<632x16xf32, #tpu.memory_space<hbm>>
      %dma_start3A_28 = arith.constant 0 : i32
      %dma_start3A_29 = tpu.memref_slice %arg11[%mul3A_23, %dma_start3A_28] : memref<10112x16xf32, #tpu.memory_space<vmem_shared>> -> memref<632x16xf32, #tpu.memory_space<vmem_shared>>
      tpu.enqueue_dma source(%dma_start3A_29 : memref<632x16xf32, #tpu.memory_space<vmem_shared>>) target(%dma_start3A : memref<632x16xf32, #tpu.memory_space<hbm>>) target_semaphore(%run_scoped3A : memref<!tpu.dma_semaphore, #tpu.memory_space<semaphore_mem>>)
      %dma_wait3A = tpu.memref_slice %arg6[%mul3A_17, %add3A_27] : memref<10112x64xf32, #tpu.memory_space<hbm>> -> memref<632x16xf32, #tpu.memory_space<hbm>>
      %dma_wait3A_30 = arith.constant 0 : i32
      %dma_wait3A_31 = tpu.memref_slice %arg11[%mul3A_23, %dma_wait3A_30] : memref<10112x16xf32, #tpu.memory_space<vmem_shared>> -> memref<632x16xf32, #tpu.memory_space<vmem_shared>>
      tpu.wait_dma2 semaphore(%run_scoped3A : memref<!tpu.dma_semaphore, #tpu.memory_space<semaphore_mem>>) src(%dma_wait3A_31 : memref<632x16xf32, #tpu.memory_space<vmem_shared>>) dst(%dma_wait3A : memref<632x16xf32, #tpu.memory_space<hbm>>)
      tpu.yield
    }) : () -> ()
    return
  }
}

#map = affine_map<(d0, d1) -> (0, 0)>
module attributes {stable_mosaic.version = 14 : i64} {
  func.func @_sc_edge_pass_l1(%arg0: i32, %arg1: i32, %arg2: memref<10112x128xf32, #tpu.memory_space<hbm>>, %arg3: memref<2560x128xi32, #tpu.memory_space<hbm>>, %arg4: memref<2560x128xi32, #tpu.memory_space<hbm>>, %arg5: memref<10112x128xf32, #tpu.memory_space<hbm>>, %arg6: memref<10112x128xf32, #tpu.memory_space<hbm>>, %arg7: memref<10112x128xf32, #tpu.memory_space<hbm>>, %arg8: memref<2x8x128xi32, #tpu.memory_space<vmem>>, %arg9: memref<2x8x128xi32, #tpu.memory_space<vmem>>, %arg10: memref<128x128xf32, #tpu.memory_space<vmem>>, %arg11: memref<128x128xf32, #tpu.memory_space<vmem>>, %arg12: memref<10112x128xf32, #tpu.memory_space<vmem_shared>>, %arg13: memref<!tpu.dma_semaphore, #tpu.memory_space<semaphore_mem>>, %arg14: memref<!tpu.dma_semaphore, #tpu.memory_space<semaphore_mem>>, %arg15: memref<!tpu.dma_semaphore, #tpu.memory_space<semaphore_mem>>, %arg16: memref<!tpu.dma_semaphore, #tpu.memory_space<semaphore_mem>>, %arg17: memref<!tpu.dma_semaphore, #tpu.memory_space<semaphore_mem>>) attributes {dimension_semantics = [#tpu.dimension_semantics<core_parallel>, #tpu.dimension_semantics<subcore_parallel>], iteration_bounds = array<i64: 2, 16>, scalar_prefetch = 0 : i64, scratch_operands = 10 : i64, tpu.core_type = #tpu.core_type<sc_vector_subcore>, window_params = [{transform_indices = #map}, {transform_indices = #map}, {transform_indices = #map}, {transform_indices = #map}, {transform_indices = #map}, {transform_indices = #map}]} {
    %mul3A = arith.constant 16 : i32
    %mul3A_0 = arith.muli %arg0, %mul3A : i32
    %add3A = arith.addi %mul3A_0, %arg1 : i32
    %mul3A_1 = arith.constant 80 : i32
    %mul3A_2 = arith.muli %add3A, %mul3A_1 : i32
    %add3A_3 = arith.constant 0 : i32
    %add3A_4 = arith.addi %mul3A_2, %add3A_3 : i32
    %add3A_5 = arith.constant 0 : i32
    %add3A_6 = arith.addi %mul3A_2, %add3A_5 : i32
    %dma_start3A = arith.constant 0 : i32
    %dma_start3A_7 = arith.constant 0 : i32
    %dma_start3A_8 = arith.constant 0 : i32
    %dma_start3A_9 = tpu.memref_slice %arg8[%dma_start3A, %dma_start3A_7, %dma_start3A_8] : memref<2x8x128xi32, #tpu.memory_space<vmem>> -> memref<1x8x128xi32, #tpu.memory_space<vmem>>
    %dma_start3A_10 = tpu.memref_squeeze %dma_start3A_9 : memref<1x8x128xi32, #tpu.memory_space<vmem>> -> memref<8x128xi32, #tpu.memory_space<vmem>>
    %dma_start3A_11 = arith.constant 0 : i32
    %dma_start3A_12 = tpu.memref_slice %arg3[%add3A_4, %dma_start3A_11] : memref<2560x128xi32, #tpu.memory_space<hbm>> -> memref<8x128xi32, #tpu.memory_space<hbm>>
    %dma_start3A_13 = arith.constant 0 : i32
    %dma_start3A_14 = arith.constant 0 : i32
    %dma_start3A_15 = tpu.memref_slice %arg8[%dma_start3A, %dma_start3A_13, %dma_start3A_14] : memref<2x8x128xi32, #tpu.memory_space<vmem>> -> memref<1x8x128xi32, #tpu.memory_space<vmem>>
    %dma_start3A_16 = tpu.memref_squeeze %dma_start3A_15 : memref<1x8x128xi32, #tpu.memory_space<vmem>> -> memref<8x128xi32, #tpu.memory_space<vmem>>
    %dma_start3A_17 = arith.constant 0 : i32
    %dma_start3A_18 = tpu.memref_slice %arg3[%add3A_4, %dma_start3A_17] : memref<2560x128xi32, #tpu.memory_space<hbm>> -> memref<8x128xi32, #tpu.memory_space<hbm>>
    tpu.enqueue_dma source(%dma_start3A_18 : memref<8x128xi32, #tpu.memory_space<hbm>>) target(%dma_start3A_16 : memref<8x128xi32, #tpu.memory_space<vmem>>) target_semaphore(%arg17 : memref<!tpu.dma_semaphore, #tpu.memory_space<semaphore_mem>>)
    %dma_start3A_19 = arith.constant 0 : i32
    %dma_start3A_20 = arith.constant 0 : i32
    %dma_start3A_21 = arith.constant 0 : i32
    %dma_start3A_22 = tpu.memref_slice %arg9[%dma_start3A_19, %dma_start3A_20, %dma_start3A_21] : memref<2x8x128xi32, #tpu.memory_space<vmem>> -> memref<1x8x128xi32, #tpu.memory_space<vmem>>
    %dma_start3A_23 = tpu.memref_squeeze %dma_start3A_22 : memref<1x8x128xi32, #tpu.memory_space<vmem>> -> memref<8x128xi32, #tpu.memory_space<vmem>>
    %dma_start3A_24 = arith.constant 0 : i32
    %dma_start3A_25 = tpu.memref_slice %arg4[%add3A_6, %dma_start3A_24] : memref<2560x128xi32, #tpu.memory_space<hbm>> -> memref<8x128xi32, #tpu.memory_space<hbm>>
    %dma_start3A_26 = arith.constant 0 : i32
    %dma_start3A_27 = arith.constant 0 : i32
    %dma_start3A_28 = tpu.memref_slice %arg9[%dma_start3A_19, %dma_start3A_26, %dma_start3A_27] : memref<2x8x128xi32, #tpu.memory_space<vmem>> -> memref<1x8x128xi32, #tpu.memory_space<vmem>>
    %dma_start3A_29 = tpu.memref_squeeze %dma_start3A_28 : memref<1x8x128xi32, #tpu.memory_space<vmem>> -> memref<8x128xi32, #tpu.memory_space<vmem>>
    %dma_start3A_30 = arith.constant 0 : i32
    %dma_start3A_31 = tpu.memref_slice %arg4[%add3A_6, %dma_start3A_30] : memref<2560x128xi32, #tpu.memory_space<hbm>> -> memref<8x128xi32, #tpu.memory_space<hbm>>
    tpu.enqueue_dma source(%dma_start3A_31 : memref<8x128xi32, #tpu.memory_space<hbm>>) target(%dma_start3A_29 : memref<8x128xi32, #tpu.memory_space<vmem>>) target_semaphore(%arg17 : memref<!tpu.dma_semaphore, #tpu.memory_space<semaphore_mem>>)
    %dma_wait3A = arith.constant 0 : i32
    %dma_wait3A_32 = arith.constant 0 : i32
    %dma_wait3A_33 = arith.constant 0 : i32
    %dma_wait3A_34 = tpu.memref_slice %arg8[%dma_wait3A, %dma_wait3A_32, %dma_wait3A_33] : memref<2x8x128xi32, #tpu.memory_space<vmem>> -> memref<1x8x128xi32, #tpu.memory_space<vmem>>
    %dma_wait3A_35 = tpu.memref_squeeze %dma_wait3A_34 : memref<1x8x128xi32, #tpu.memory_space<vmem>> -> memref<8x128xi32, #tpu.memory_space<vmem>>
    %dma_wait3A_36 = arith.constant 0 : i32
    %dma_wait3A_37 = tpu.memref_slice %arg3[%add3A_4, %dma_wait3A_36] : memref<2560x128xi32, #tpu.memory_space<hbm>> -> memref<8x128xi32, #tpu.memory_space<hbm>>
    %dma_wait3A_38 = arith.constant 0 : i32
    %dma_wait3A_39 = arith.constant 0 : i32
    %dma_wait3A_40 = tpu.memref_slice %arg8[%dma_wait3A, %dma_wait3A_38, %dma_wait3A_39] : memref<2x8x128xi32, #tpu.memory_space<vmem>> -> memref<1x8x128xi32, #tpu.memory_space<vmem>>
    %dma_wait3A_41 = tpu.memref_squeeze %dma_wait3A_40 : memref<1x8x128xi32, #tpu.memory_space<vmem>> -> memref<8x128xi32, #tpu.memory_space<vmem>>
    %dma_wait3A_42 = arith.constant 0 : i32
    %dma_wait3A_43 = tpu.memref_slice %arg3[%add3A_4, %dma_wait3A_42] : memref<2560x128xi32, #tpu.memory_space<hbm>> -> memref<8x128xi32, #tpu.memory_space<hbm>>
    tpu.wait_dma2 semaphore(%arg17 : memref<!tpu.dma_semaphore, #tpu.memory_space<semaphore_mem>>) src(%dma_wait3A_43 : memref<8x128xi32, #tpu.memory_space<hbm>>) dst(%dma_wait3A_41 : memref<8x128xi32, #tpu.memory_space<vmem>>)
    %dma_wait3A_44 = arith.constant 0 : i32
    %dma_wait3A_45 = arith.constant 0 : i32
    %dma_wait3A_46 = arith.constant 0 : i32
    %dma_wait3A_47 = tpu.memref_slice %arg9[%dma_wait3A_44, %dma_wait3A_45, %dma_wait3A_46] : memref<2x8x128xi32, #tpu.memory_space<vmem>> -> memref<1x8x128xi32, #tpu.memory_space<vmem>>
    %dma_wait3A_48 = tpu.memref_squeeze %dma_wait3A_47 : memref<1x8x128xi32, #tpu.memory_space<vmem>> -> memref<8x128xi32, #tpu.memory_space<vmem>>
    %dma_wait3A_49 = arith.constant 0 : i32
    %dma_wait3A_50 = tpu.memref_slice %arg4[%add3A_6, %dma_wait3A_49] : memref<2560x128xi32, #tpu.memory_space<hbm>> -> memref<8x128xi32, #tpu.memory_space<hbm>>
    %dma_wait3A_51 = arith.constant 0 : i32
    %dma_wait3A_52 = arith.constant 0 : i32
    %dma_wait3A_53 = tpu.memref_slice %arg9[%dma_wait3A_44, %dma_wait3A_51, %dma_wait3A_52] : memref<2x8x128xi32, #tpu.memory_space<vmem>> -> memref<1x8x128xi32, #tpu.memory_space<vmem>>
    %dma_wait3A_54 = tpu.memref_squeeze %dma_wait3A_53 : memref<1x8x128xi32, #tpu.memory_space<vmem>> -> memref<8x128xi32, #tpu.memory_space<vmem>>
    %dma_wait3A_55 = arith.constant 0 : i32
    %dma_wait3A_56 = tpu.memref_slice %arg4[%add3A_6, %dma_wait3A_55] : memref<2560x128xi32, #tpu.memory_space<hbm>> -> memref<8x128xi32, #tpu.memory_space<hbm>>
    tpu.wait_dma2 semaphore(%arg17 : memref<!tpu.dma_semaphore, #tpu.memory_space<semaphore_mem>>) src(%dma_wait3A_56 : memref<8x128xi32, #tpu.memory_space<hbm>>) dst(%dma_wait3A_54 : memref<8x128xi32, #tpu.memory_space<vmem>>)
    %mul3A_57 = arith.constant 632 : i32
    %mul3A_58 = arith.muli %arg1, %mul3A_57 : i32
    %mul3A_59 = arith.constant 632 : i32
    %mul3A_60 = arith.muli %arg1, %mul3A_59 : i32
    "tpu.region"() ({
      %run_scoped3A = tpu.sem_alloc : memref<!tpu.dma_semaphore, #tpu.memory_space<semaphore_mem>>
      %dma_start3A_111 = arith.constant 0 : i32
      %dma_start3A_112 = tpu.memref_slice %arg12[%mul3A_60, %dma_start3A_111] : memref<10112x128xf32, #tpu.memory_space<vmem_shared>> -> memref<632x128xf32, #tpu.memory_space<vmem_shared>>
      %dma_start3A_113 = arith.constant 0 : i32
      %dma_start3A_114 = tpu.memref_slice %arg5[%mul3A_58, %dma_start3A_113] : memref<10112x128xf32, #tpu.memory_space<hbm>> -> memref<632x128xf32, #tpu.memory_space<hbm>>
      tpu.enqueue_dma source(%dma_start3A_114 : memref<632x128xf32, #tpu.memory_space<hbm>>) target(%dma_start3A_112 : memref<632x128xf32, #tpu.memory_space<vmem_shared>>) target_semaphore(%run_scoped3A : memref<!tpu.dma_semaphore, #tpu.memory_space<semaphore_mem>>)
      %dma_wait3A_115 = arith.constant 0 : i32
      %dma_wait3A_116 = tpu.memref_slice %arg12[%mul3A_60, %dma_wait3A_115] : memref<10112x128xf32, #tpu.memory_space<vmem_shared>> -> memref<632x128xf32, #tpu.memory_space<vmem_shared>>
      %dma_wait3A_117 = arith.constant 0 : i32
      %dma_wait3A_118 = tpu.memref_slice %arg5[%mul3A_58, %dma_wait3A_117] : memref<10112x128xf32, #tpu.memory_space<hbm>> -> memref<632x128xf32, #tpu.memory_space<hbm>>
      tpu.wait_dma2 semaphore(%run_scoped3A : memref<!tpu.dma_semaphore, #tpu.memory_space<semaphore_mem>>) src(%dma_wait3A_118 : memref<632x128xf32, #tpu.memory_space<hbm>>) dst(%dma_wait3A_116 : memref<632x128xf32, #tpu.memory_space<vmem_shared>>)
      tpu.yield
    }) : () -> ()
    %barrier3A = arith.constant 0 : index
    tpu.barrier barrier_id(%barrier3A)
    %add3A_61 = arith.constant 8 : i32
    %add3A_62 = arith.addi %mul3A_2, %add3A_61 : i32
    %add3A_63 = arith.constant 8 : i32
    %add3A_64 = arith.addi %mul3A_2, %add3A_63 : i32
    %dma_start3A_65 = arith.constant 1 : i32
    %dma_start3A_66 = arith.constant 0 : i32
    %dma_start3A_67 = arith.constant 0 : i32
    %dma_start3A_68 = tpu.memref_slice %arg8[%dma_start3A_65, %dma_start3A_66, %dma_start3A_67] : memref<2x8x128xi32, #tpu.memory_space<vmem>> -> memref<1x8x128xi32, #tpu.memory_space<vmem>>
    %dma_start3A_69 = tpu.memref_squeeze %dma_start3A_68 : memref<1x8x128xi32, #tpu.memory_space<vmem>> -> memref<8x128xi32, #tpu.memory_space<vmem>>
    %dma_start3A_70 = arith.constant 0 : i32
    %dma_start3A_71 = tpu.memref_slice %arg3[%add3A_62, %dma_start3A_70] : memref<2560x128xi32, #tpu.memory_space<hbm>> -> memref<8x128xi32, #tpu.memory_space<hbm>>
    %dma_start3A_72 = arith.constant 0 : i32
    %dma_start3A_73 = arith.constant 0 : i32
    %dma_start3A_74 = tpu.memref_slice %arg8[%dma_start3A_65, %dma_start3A_72, %dma_start3A_73] : memref<2x8x128xi32, #tpu.memory_space<vmem>> -> memref<1x8x128xi32, #tpu.memory_space<vmem>>
    %dma_start3A_75 = tpu.memref_squeeze %dma_start3A_74 : memref<1x8x128xi32, #tpu.memory_space<vmem>> -> memref<8x128xi32, #tpu.memory_space<vmem>>
    %dma_start3A_76 = arith.constant 0 : i32
    %dma_start3A_77 = tpu.memref_slice %arg3[%add3A_62, %dma_start3A_76] : memref<2560x128xi32, #tpu.memory_space<hbm>> -> memref<8x128xi32, #tpu.memory_space<hbm>>
    tpu.enqueue_dma source(%dma_start3A_77 : memref<8x128xi32, #tpu.memory_space<hbm>>) target(%dma_start3A_75 : memref<8x128xi32, #tpu.memory_space<vmem>>) target_semaphore(%arg17 : memref<!tpu.dma_semaphore, #tpu.memory_space<semaphore_mem>>)
    %dma_start3A_78 = arith.constant 1 : i32
    %dma_start3A_79 = arith.constant 0 : i32
    %dma_start3A_80 = arith.constant 0 : i32
    %dma_start3A_81 = tpu.memref_slice %arg9[%dma_start3A_78, %dma_start3A_79, %dma_start3A_80] : memref<2x8x128xi32, #tpu.memory_space<vmem>> -> memref<1x8x128xi32, #tpu.memory_space<vmem>>
    %dma_start3A_82 = tpu.memref_squeeze %dma_start3A_81 : memref<1x8x128xi32, #tpu.memory_space<vmem>> -> memref<8x128xi32, #tpu.memory_space<vmem>>
    %dma_start3A_83 = arith.constant 0 : i32
    %dma_start3A_84 = tpu.memref_slice %arg4[%add3A_64, %dma_start3A_83] : memref<2560x128xi32, #tpu.memory_space<hbm>> -> memref<8x128xi32, #tpu.memory_space<hbm>>
    %dma_start3A_85 = arith.constant 0 : i32
    %dma_start3A_86 = arith.constant 0 : i32
    %dma_start3A_87 = tpu.memref_slice %arg9[%dma_start3A_78, %dma_start3A_85, %dma_start3A_86] : memref<2x8x128xi32, #tpu.memory_space<vmem>> -> memref<1x8x128xi32, #tpu.memory_space<vmem>>
    %dma_start3A_88 = tpu.memref_squeeze %dma_start3A_87 : memref<1x8x128xi32, #tpu.memory_space<vmem>> -> memref<8x128xi32, #tpu.memory_space<vmem>>
    %dma_start3A_89 = arith.constant 0 : i32
    %dma_start3A_90 = tpu.memref_slice %arg4[%add3A_64, %dma_start3A_89] : memref<2560x128xi32, #tpu.memory_space<hbm>> -> memref<8x128xi32, #tpu.memory_space<hbm>>
    tpu.enqueue_dma source(%dma_start3A_90 : memref<8x128xi32, #tpu.memory_space<hbm>>) target(%dma_start3A_88 : memref<8x128xi32, #tpu.memory_space<vmem>>) target_semaphore(%arg17 : memref<!tpu.dma_semaphore, #tpu.memory_space<semaphore_mem>>)
    %dma_start3A_91 = arith.constant 0 : i32
    %dma_start3A_92 = arith.constant 0 : i32
    %dma_start3A_93 = arith.constant 0 : i32
    %dma_start3A_94 = tpu.memref_slice %arg8[%dma_start3A_91, %dma_start3A_92, %dma_start3A_93] : memref<2x8x128xi32, #tpu.memory_space<vmem>> -> memref<1x1x128xi32, #tpu.memory_space<vmem>>
    %dma_start3A_95 = tpu.memref_squeeze %dma_start3A_94 : memref<1x1x128xi32, #tpu.memory_space<vmem>> -> memref<128xi32, #tpu.memory_space<vmem>>
    %dma_start3A_96 = arith.constant 0 : i32
    %dma_start3A_97 = arith.constant 0 : i32
    %dma_start3A_98 = tpu.memref_slice %arg2[%dma_start3A_96, %dma_start3A_97] : memref<10112x128xf32, #tpu.memory_space<hbm>> -> memref<10112x128xf32, #tpu.memory_space<hbm>>
    tpu.enqueue_indirect_dma source(%dma_start3A_98 : memref<10112x128xf32, #tpu.memory_space<hbm>>) target(%arg10 : memref<128x128xf32, #tpu.memory_space<vmem>>) offsets(%dma_start3A_95 : memref<128xi32, #tpu.memory_space<vmem>>) semaphore(%arg13 : memref<!tpu.dma_semaphore, #tpu.memory_space<semaphore_mem>>)
    %scan3A = arith.constant 0 : i32
    %scan3A_99 = arith.constant 10 : i32
    %scan3A_100 = arith.addi %scan3A, %scan3A_99 : i32
    %scan3A_101 = arith.constant 1 : i32
    scf.for %scan3A_111 = %scan3A to %scan3A_100 step %scan3A_101  : i32 {
      %mul3A_112 = arith.constant 1 : i32
      %mul3A_113 = arith.muli %scan3A_111, %mul3A_112 : i32
      %add3A_114 = arith.constant 0 : i32
      %add3A_115 = arith.addi %add3A_114, %mul3A_113 : i32
      %rem3A = arith.constant 2 : i32
      %rem3A_116 = arith.remsi %add3A_115, %rem3A : i32
      %add3A_117 = arith.constant 1 : i32
      %add3A_118 = arith.addi %add3A_115, %add3A_117 : i32
      %rem3A_119 = arith.constant 2 : i32
      %rem3A_120 = arith.remsi %add3A_118, %rem3A_119 : i32
      %scan3A_121 = arith.constant 0 : i32
      %scan3A_122 = arith.constant 3 : i32
      %scan3A_123 = arith.addi %scan3A_121, %scan3A_122 : i32
      %scan3A_124 = arith.constant 1 : i32
      scf.for %scan3A_179 = %scan3A_121 to %scan3A_123 step %scan3A_124  : i32 {
        %mul3A_180 = arith.constant 1 : i32
        %mul3A_181 = arith.muli %scan3A_179, %mul3A_180 : i32
        %add3A_182 = arith.constant 0 : i32
        %add3A_183 = arith.addi %add3A_182, %mul3A_181 : i32
        %mul3A_184 = arith.constant 2 : i32
        %mul3A_185 = arith.muli %mul3A_184, %add3A_183 : i32
        %dma_wait3A_186 = arith.constant 0 : i32
        %dma_wait3A_187 = tpu.memref_slice %arg8[%rem3A_116, %mul3A_185, %dma_wait3A_186] : memref<2x8x128xi32, #tpu.memory_space<vmem>> -> memref<1x1x128xi32, #tpu.memory_space<vmem>>
        %dma_wait3A_188 = tpu.memref_squeeze %dma_wait3A_187 : memref<1x1x128xi32, #tpu.memory_space<vmem>> -> memref<128xi32, #tpu.memory_space<vmem>>
        %dma_wait3A_189 = arith.constant 0 : i32
        %dma_wait3A_190 = arith.constant 0 : i32
        %dma_wait3A_191 = tpu.memref_slice %arg2[%dma_wait3A_189, %dma_wait3A_190] : memref<10112x128xf32, #tpu.memory_space<hbm>> -> memref<10112x128xf32, #tpu.memory_space<hbm>>
        tpu.wait_indirect_dma semaphore(%arg13 : memref<!tpu.dma_semaphore, #tpu.memory_space<semaphore_mem>>) src(%dma_wait3A_191 : memref<10112x128xf32, #tpu.memory_space<hbm>>) dst(%arg10 : memref<128x128xf32, #tpu.memory_space<vmem>>)
        %dma_start3A_192 = arith.constant 0 : i32
        %dma_start3A_193 = tpu.memref_slice %arg9[%rem3A_116, %mul3A_185, %dma_start3A_192] : memref<2x8x128xi32, #tpu.memory_space<vmem>> -> memref<1x1x128xi32, #tpu.memory_space<vmem>>
        %dma_start3A_194 = tpu.memref_squeeze %dma_start3A_193 : memref<1x1x128xi32, #tpu.memory_space<vmem>> -> memref<128xi32, #tpu.memory_space<vmem>>
        %dma_start3A_195 = arith.constant 0 : i32
        %dma_start3A_196 = arith.constant 0 : i32
        %dma_start3A_197 = tpu.memref_slice %arg12[%dma_start3A_195, %dma_start3A_196] : memref<10112x128xf32, #tpu.memory_space<vmem_shared>> -> memref<10112x128xf32, #tpu.memory_space<vmem_shared>>
        tpu.enqueue_indirect_dma source(%arg10 : memref<128x128xf32, #tpu.memory_space<vmem>>) target(%dma_start3A_197 : memref<10112x128xf32, #tpu.memory_space<vmem_shared>>) offsets(%dma_start3A_194 : memref<128xi32, #tpu.memory_space<vmem>>) semaphore(%arg15 : memref<!tpu.dma_semaphore, #tpu.memory_space<semaphore_mem>>) {add = true}
        %add3A_198 = arith.constant 1 : i32
        %add3A_199 = arith.addi %mul3A_185, %add3A_198 : i32
        %dma_start3A_200 = arith.constant 0 : i32
        %dma_start3A_201 = tpu.memref_slice %arg8[%rem3A_116, %add3A_199, %dma_start3A_200] : memref<2x8x128xi32, #tpu.memory_space<vmem>> -> memref<1x1x128xi32, #tpu.memory_space<vmem>>
        %dma_start3A_202 = tpu.memref_squeeze %dma_start3A_201 : memref<1x1x128xi32, #tpu.memory_space<vmem>> -> memref<128xi32, #tpu.memory_space<vmem>>
        %dma_start3A_203 = arith.constant 0 : i32
        %dma_start3A_204 = arith.constant 0 : i32
        %dma_start3A_205 = tpu.memref_slice %arg2[%dma_start3A_203, %dma_start3A_204] : memref<10112x128xf32, #tpu.memory_space<hbm>> -> memref<10112x128xf32, #tpu.memory_space<hbm>>
        tpu.enqueue_indirect_dma source(%dma_start3A_205 : memref<10112x128xf32, #tpu.memory_space<hbm>>) target(%arg11 : memref<128x128xf32, #tpu.memory_space<vmem>>) offsets(%dma_start3A_202 : memref<128xi32, #tpu.memory_space<vmem>>) semaphore(%arg14 : memref<!tpu.dma_semaphore, #tpu.memory_space<semaphore_mem>>)
        %add3A_206 = arith.constant 1 : i32
        %add3A_207 = arith.addi %mul3A_185, %add3A_206 : i32
        %dma_wait3A_208 = arith.constant 0 : i32
        %dma_wait3A_209 = tpu.memref_slice %arg8[%rem3A_116, %add3A_207, %dma_wait3A_208] : memref<2x8x128xi32, #tpu.memory_space<vmem>> -> memref<1x1x128xi32, #tpu.memory_space<vmem>>
        %dma_wait3A_210 = tpu.memref_squeeze %dma_wait3A_209 : memref<1x1x128xi32, #tpu.memory_space<vmem>> -> memref<128xi32, #tpu.memory_space<vmem>>
        %dma_wait3A_211 = arith.constant 0 : i32
        %dma_wait3A_212 = arith.constant 0 : i32
        %dma_wait3A_213 = tpu.memref_slice %arg2[%dma_wait3A_211, %dma_wait3A_212] : memref<10112x128xf32, #tpu.memory_space<hbm>> -> memref<10112x128xf32, #tpu.memory_space<hbm>>
        tpu.wait_indirect_dma semaphore(%arg14 : memref<!tpu.dma_semaphore, #tpu.memory_space<semaphore_mem>>) src(%dma_wait3A_213 : memref<10112x128xf32, #tpu.memory_space<hbm>>) dst(%arg11 : memref<128x128xf32, #tpu.memory_space<vmem>>)
        %add3A_214 = arith.constant 1 : i32
        %add3A_215 = arith.addi %mul3A_185, %add3A_214 : i32
        %dma_start3A_216 = arith.constant 0 : i32
        %dma_start3A_217 = tpu.memref_slice %arg9[%rem3A_116, %add3A_215, %dma_start3A_216] : memref<2x8x128xi32, #tpu.memory_space<vmem>> -> memref<1x1x128xi32, #tpu.memory_space<vmem>>
        %dma_start3A_218 = tpu.memref_squeeze %dma_start3A_217 : memref<1x1x128xi32, #tpu.memory_space<vmem>> -> memref<128xi32, #tpu.memory_space<vmem>>
        %dma_start3A_219 = arith.constant 0 : i32
        %dma_start3A_220 = arith.constant 0 : i32
        %dma_start3A_221 = tpu.memref_slice %arg12[%dma_start3A_219, %dma_start3A_220] : memref<10112x128xf32, #tpu.memory_space<vmem_shared>> -> memref<10112x128xf32, #tpu.memory_space<vmem_shared>>
        tpu.enqueue_indirect_dma source(%arg11 : memref<128x128xf32, #tpu.memory_space<vmem>>) target(%dma_start3A_221 : memref<10112x128xf32, #tpu.memory_space<vmem_shared>>) offsets(%dma_start3A_218 : memref<128xi32, #tpu.memory_space<vmem>>) semaphore(%arg16 : memref<!tpu.dma_semaphore, #tpu.memory_space<semaphore_mem>>) {add = true}
        %dma_wait3A_222 = arith.constant 0 : i32
        %dma_wait3A_223 = tpu.memref_slice %arg9[%rem3A_116, %mul3A_185, %dma_wait3A_222] : memref<2x8x128xi32, #tpu.memory_space<vmem>> -> memref<1x1x128xi32, #tpu.memory_space<vmem>>
        %dma_wait3A_224 = tpu.memref_squeeze %dma_wait3A_223 : memref<1x1x128xi32, #tpu.memory_space<vmem>> -> memref<128xi32, #tpu.memory_space<vmem>>
        %dma_wait3A_225 = arith.constant 0 : i32
        %dma_wait3A_226 = arith.constant 0 : i32
        %dma_wait3A_227 = tpu.memref_slice %arg12[%dma_wait3A_225, %dma_wait3A_226] : memref<10112x128xf32, #tpu.memory_space<vmem_shared>> -> memref<10112x128xf32, #tpu.memory_space<vmem_shared>>
        tpu.wait_indirect_dma semaphore(%arg15 : memref<!tpu.dma_semaphore, #tpu.memory_space<semaphore_mem>>) src(%arg10 : memref<128x128xf32, #tpu.memory_space<vmem>>) dst(%dma_wait3A_227 : memref<10112x128xf32, #tpu.memory_space<vmem_shared>>)
        %add3A_228 = arith.constant 2 : i32
        %add3A_229 = arith.addi %mul3A_185, %add3A_228 : i32
        %dma_start3A_230 = arith.constant 0 : i32
        %dma_start3A_231 = tpu.memref_slice %arg8[%rem3A_116, %add3A_229, %dma_start3A_230] : memref<2x8x128xi32, #tpu.memory_space<vmem>> -> memref<1x1x128xi32, #tpu.memory_space<vmem>>
        %dma_start3A_232 = tpu.memref_squeeze %dma_start3A_231 : memref<1x1x128xi32, #tpu.memory_space<vmem>> -> memref<128xi32, #tpu.memory_space<vmem>>
        %dma_start3A_233 = arith.constant 0 : i32
        %dma_start3A_234 = arith.constant 0 : i32
        %dma_start3A_235 = tpu.memref_slice %arg2[%dma_start3A_233, %dma_start3A_234] : memref<10112x128xf32, #tpu.memory_space<hbm>> -> memref<10112x128xf32, #tpu.memory_space<hbm>>
        tpu.enqueue_indirect_dma source(%dma_start3A_235 : memref<10112x128xf32, #tpu.memory_space<hbm>>) target(%arg10 : memref<128x128xf32, #tpu.memory_space<vmem>>) offsets(%dma_start3A_232 : memref<128xi32, #tpu.memory_space<vmem>>) semaphore(%arg13 : memref<!tpu.dma_semaphore, #tpu.memory_space<semaphore_mem>>)
        %add3A_236 = arith.constant 1 : i32
        %add3A_237 = arith.addi %mul3A_185, %add3A_236 : i32
        %dma_wait3A_238 = arith.constant 0 : i32
        %dma_wait3A_239 = tpu.memref_slice %arg9[%rem3A_116, %add3A_237, %dma_wait3A_238] : memref<2x8x128xi32, #tpu.memory_space<vmem>> -> memref<1x1x128xi32, #tpu.memory_space<vmem>>
        %dma_wait3A_240 = tpu.memref_squeeze %dma_wait3A_239 : memref<1x1x128xi32, #tpu.memory_space<vmem>> -> memref<128xi32, #tpu.memory_space<vmem>>
        %dma_wait3A_241 = arith.constant 0 : i32
        %dma_wait3A_242 = arith.constant 0 : i32
        %dma_wait3A_243 = tpu.memref_slice %arg12[%dma_wait3A_241, %dma_wait3A_242] : memref<10112x128xf32, #tpu.memory_space<vmem_shared>> -> memref<10112x128xf32, #tpu.memory_space<vmem_shared>>
        tpu.wait_indirect_dma semaphore(%arg16 : memref<!tpu.dma_semaphore, #tpu.memory_space<semaphore_mem>>) src(%arg11 : memref<128x128xf32, #tpu.memory_space<vmem>>) dst(%dma_wait3A_243 : memref<10112x128xf32, #tpu.memory_space<vmem_shared>>)
      }
      %scan3A_125 = arith.constant 3 : i32
      %dma_wait3A_126 = arith.constant 6 : i32
      %dma_wait3A_127 = arith.constant 0 : i32
      %dma_wait3A_128 = tpu.memref_slice %arg8[%rem3A_116, %dma_wait3A_126, %dma_wait3A_127] : memref<2x8x128xi32, #tpu.memory_space<vmem>> -> memref<1x1x128xi32, #tpu.memory_space<vmem>>
      %dma_wait3A_129 = tpu.memref_squeeze %dma_wait3A_128 : memref<1x1x128xi32, #tpu.memory_space<vmem>> -> memref<128xi32, #tpu.memory_space<vmem>>
      %dma_wait3A_130 = arith.constant 0 : i32
      %dma_wait3A_131 = arith.constant 0 : i32
      %dma_wait3A_132 = tpu.memref_slice %arg2[%dma_wait3A_130, %dma_wait3A_131] : memref<10112x128xf32, #tpu.memory_space<hbm>> -> memref<10112x128xf32, #tpu.memory_space<hbm>>
      tpu.wait_indirect_dma semaphore(%arg13 : memref<!tpu.dma_semaphore, #tpu.memory_space<semaphore_mem>>) src(%dma_wait3A_132 : memref<10112x128xf32, #tpu.memory_space<hbm>>) dst(%arg10 : memref<128x128xf32, #tpu.memory_space<vmem>>)
      %dma_start3A_133 = arith.constant 6 : i32
      %dma_start3A_134 = arith.constant 0 : i32
      %dma_start3A_135 = tpu.memref_slice %arg9[%rem3A_116, %dma_start3A_133, %dma_start3A_134] : memref<2x8x128xi32, #tpu.memory_space<vmem>> -> memref<1x1x128xi32, #tpu.memory_space<vmem>>
      %dma_start3A_136 = tpu.memref_squeeze %dma_start3A_135 : memref<1x1x128xi32, #tpu.memory_space<vmem>> -> memref<128xi32, #tpu.memory_space<vmem>>
      %dma_start3A_137 = arith.constant 0 : i32
      %dma_start3A_138 = arith.constant 0 : i32
      %dma_start3A_139 = tpu.memref_slice %arg12[%dma_start3A_137, %dma_start3A_138] : memref<10112x128xf32, #tpu.memory_space<vmem_shared>> -> memref<10112x128xf32, #tpu.memory_space<vmem_shared>>
      tpu.enqueue_indirect_dma source(%arg10 : memref<128x128xf32, #tpu.memory_space<vmem>>) target(%dma_start3A_139 : memref<10112x128xf32, #tpu.memory_space<vmem_shared>>) offsets(%dma_start3A_136 : memref<128xi32, #tpu.memory_space<vmem>>) semaphore(%arg15 : memref<!tpu.dma_semaphore, #tpu.memory_space<semaphore_mem>>) {add = true}
      %dma_start3A_140 = arith.constant 7 : i32
      %dma_start3A_141 = arith.constant 0 : i32
      %dma_start3A_142 = tpu.memref_slice %arg8[%rem3A_116, %dma_start3A_140, %dma_start3A_141] : memref<2x8x128xi32, #tpu.memory_space<vmem>> -> memref<1x1x128xi32, #tpu.memory_space<vmem>>
      %dma_start3A_143 = tpu.memref_squeeze %dma_start3A_142 : memref<1x1x128xi32, #tpu.memory_space<vmem>> -> memref<128xi32, #tpu.memory_space<vmem>>
      %dma_start3A_144 = arith.constant 0 : i32
      %dma_start3A_145 = arith.constant 0 : i32
      %dma_start3A_146 = tpu.memref_slice %arg2[%dma_start3A_144, %dma_start3A_145] : memref<10112x128xf32, #tpu.memory_space<hbm>> -> memref<10112x128xf32, #tpu.memory_space<hbm>>
      tpu.enqueue_indirect_dma source(%dma_start3A_146 : memref<10112x128xf32, #tpu.memory_space<hbm>>) target(%arg11 : memref<128x128xf32, #tpu.memory_space<vmem>>) offsets(%dma_start3A_143 : memref<128xi32, #tpu.memory_space<vmem>>) semaphore(%arg14 : memref<!tpu.dma_semaphore, #tpu.memory_space<semaphore_mem>>)
      %dma_wait3A_147 = arith.constant 7 : i32
      %dma_wait3A_148 = arith.constant 0 : i32
      %dma_wait3A_149 = tpu.memref_slice %arg8[%rem3A_116, %dma_wait3A_147, %dma_wait3A_148] : memref<2x8x128xi32, #tpu.memory_space<vmem>> -> memref<1x1x128xi32, #tpu.memory_space<vmem>>
      %dma_wait3A_150 = tpu.memref_squeeze %dma_wait3A_149 : memref<1x1x128xi32, #tpu.memory_space<vmem>> -> memref<128xi32, #tpu.memory_space<vmem>>
      %dma_wait3A_151 = arith.constant 0 : i32
      %dma_wait3A_152 = arith.constant 0 : i32
      %dma_wait3A_153 = tpu.memref_slice %arg2[%dma_wait3A_151, %dma_wait3A_152] : memref<10112x128xf32, #tpu.memory_space<hbm>> -> memref<10112x128xf32, #tpu.memory_space<hbm>>
      tpu.wait_indirect_dma semaphore(%arg14 : memref<!tpu.dma_semaphore, #tpu.memory_space<semaphore_mem>>) src(%dma_wait3A_153 : memref<10112x128xf32, #tpu.memory_space<hbm>>) dst(%arg11 : memref<128x128xf32, #tpu.memory_space<vmem>>)
      %dma_start3A_154 = arith.constant 7 : i32
      %dma_start3A_155 = arith.constant 0 : i32
      %dma_start3A_156 = tpu.memref_slice %arg9[%rem3A_116, %dma_start3A_154, %dma_start3A_155] : memref<2x8x128xi32, #tpu.memory_space<vmem>> -> memref<1x1x128xi32, #tpu.memory_space<vmem>>
      %dma_start3A_157 = tpu.memref_squeeze %dma_start3A_156 : memref<1x1x128xi32, #tpu.memory_space<vmem>> -> memref<128xi32, #tpu.memory_space<vmem>>
      %dma_start3A_158 = arith.constant 0 : i32
      %dma_start3A_159 = arith.constant 0 : i32
      %dma_start3A_160 = tpu.memref_slice %arg12[%dma_start3A_158, %dma_start3A_159] : memref<10112x128xf32, #tpu.memory_space<vmem_shared>> -> memref<10112x128xf32, #tpu.memory_space<vmem_shared>>
      tpu.enqueue_indirect_dma source(%arg11 : memref<128x128xf32, #tpu.memory_space<vmem>>) target(%dma_start3A_160 : memref<10112x128xf32, #tpu.memory_space<vmem_shared>>) offsets(%dma_start3A_157 : memref<128xi32, #tpu.memory_space<vmem>>) semaphore(%arg16 : memref<!tpu.dma_semaphore, #tpu.memory_space<semaphore_mem>>) {add = true}
      %dma_wait3A_161 = arith.constant 6 : i32
      %dma_wait3A_162 = arith.constant 0 : i32
      %dma_wait3A_163 = tpu.memref_slice %arg9[%rem3A_116, %dma_wait3A_161, %dma_wait3A_162] : memref<2x8x128xi32, #tpu.memory_space<vmem>> -> memref<1x1x128xi32, #tpu.memory_space<vmem>>
      %dma_wait3A_164 = tpu.memref_squeeze %dma_wait3A_163 : memref<1x1x128xi32, #tpu.memory_space<vmem>> -> memref<128xi32, #tpu.memory_space<vmem>>
      %dma_wait3A_165 = arith.constant 0 : i32
      %dma_wait3A_166 = arith.constant 0 : i32
      %dma_wait3A_167 = tpu.memref_slice %arg12[%dma_wait3A_165, %dma_wait3A_166] : memref<10112x128xf32, #tpu.memory_space<vmem_shared>> -> memref<10112x128xf32, #tpu.memory_space<vmem_shared>>
      tpu.wait_indirect_dma semaphore(%arg15 : memref<!tpu.dma_semaphore, #tpu.memory_space<semaphore_mem>>) src(%arg10 : memref<128x128xf32, #tpu.memory_space<vmem>>) dst(%dma_wait3A_167 : memref<10112x128xf32, #tpu.memory_space<vmem_shared>>)
      %dma_wait3A_168 = arith.constant 7 : i32
      %dma_wait3A_169 = arith.constant 0 : i32
      %dma_wait3A_170 = tpu.memref_slice %arg9[%rem3A_116, %dma_wait3A_168, %dma_wait3A_169] : memref<2x8x128xi32, #tpu.memory_space<vmem>> -> memref<1x1x128xi32, #tpu.memory_space<vmem>>
      %dma_wait3A_171 = tpu.memref_squeeze %dma_wait3A_170 : memref<1x1x128xi32, #tpu.memory_space<vmem>> -> memref<128xi32, #tpu.memory_space<vmem>>
      %dma_wait3A_172 = arith.constant 0 : i32
      %dma_wait3A_173 = arith.constant 0 : i32
      %dma_wait3A_174 = tpu.memref_slice %arg12[%dma_wait3A_172, %dma_wait3A_173] : memref<10112x128xf32, #tpu.memory_space<vmem_shared>> -> memref<10112x128xf32, #tpu.memory_space<vmem_shared>>
      tpu.wait_indirect_dma semaphore(%arg16 : memref<!tpu.dma_semaphore, #tpu.memory_space<semaphore_mem>>) src(%arg11 : memref<128x128xf32, #tpu.memory_space<vmem>>) dst(%dma_wait3A_174 : memref<10112x128xf32, #tpu.memory_space<vmem_shared>>)
      %lt3A = arith.constant 9 : i32
      %lt3A_175 = arith.cmpi slt, %add3A_115, %lt3A : i32
      %convert_element_type3A_176 = arith.extui %lt3A_175 : i1 to i32
      %cond3A_177 = arith.constant 0 : i32
      %cond3A_178 = arith.cmpi ne, %convert_element_type3A_176, %cond3A_177 : i32
      scf.if %cond3A_178 {
        %add3A_179 = arith.constant 1 : i32
        %add3A_180 = arith.addi %add3A_115, %add3A_179 : i32
        %mul3A_181 = arith.constant 8 : i32
        %mul3A_182 = arith.muli %add3A_180, %mul3A_181 : i32
        %add3A_183 = arith.addi %mul3A_2, %mul3A_182 : i32
        %mul3A_184 = arith.constant 8 : i32
        %mul3A_185 = arith.muli %add3A_180, %mul3A_184 : i32
        %add3A_186 = arith.addi %mul3A_2, %mul3A_185 : i32
        %dma_wait3A_187 = arith.constant 0 : i32
        %dma_wait3A_188 = arith.constant 0 : i32
        %dma_wait3A_189 = tpu.memref_slice %arg8[%rem3A_120, %dma_wait3A_187, %dma_wait3A_188] : memref<2x8x128xi32, #tpu.memory_space<vmem>> -> memref<1x8x128xi32, #tpu.memory_space<vmem>>
        %dma_wait3A_190 = tpu.memref_squeeze %dma_wait3A_189 : memref<1x8x128xi32, #tpu.memory_space<vmem>> -> memref<8x128xi32, #tpu.memory_space<vmem>>
        %dma_wait3A_191 = arith.constant 0 : i32
        %dma_wait3A_192 = tpu.memref_slice %arg3[%add3A_183, %dma_wait3A_191] : memref<2560x128xi32, #tpu.memory_space<hbm>> -> memref<8x128xi32, #tpu.memory_space<hbm>>
        %dma_wait3A_193 = arith.constant 0 : i32
        %dma_wait3A_194 = arith.constant 0 : i32
        %dma_wait3A_195 = tpu.memref_slice %arg8[%rem3A_120, %dma_wait3A_193, %dma_wait3A_194] : memref<2x8x128xi32, #tpu.memory_space<vmem>> -> memref<1x8x128xi32, #tpu.memory_space<vmem>>
        %dma_wait3A_196 = tpu.memref_squeeze %dma_wait3A_195 : memref<1x8x128xi32, #tpu.memory_space<vmem>> -> memref<8x128xi32, #tpu.memory_space<vmem>>
        %dma_wait3A_197 = arith.constant 0 : i32
        %dma_wait3A_198 = tpu.memref_slice %arg3[%add3A_183, %dma_wait3A_197] : memref<2560x128xi32, #tpu.memory_space<hbm>> -> memref<8x128xi32, #tpu.memory_space<hbm>>
        tpu.wait_dma2 semaphore(%arg17 : memref<!tpu.dma_semaphore, #tpu.memory_space<semaphore_mem>>) src(%dma_wait3A_198 : memref<8x128xi32, #tpu.memory_space<hbm>>) dst(%dma_wait3A_196 : memref<8x128xi32, #tpu.memory_space<vmem>>)
        %dma_wait3A_199 = arith.constant 0 : i32
        %dma_wait3A_200 = arith.constant 0 : i32
        %dma_wait3A_201 = tpu.memref_slice %arg9[%rem3A_120, %dma_wait3A_199, %dma_wait3A_200] : memref<2x8x128xi32, #tpu.memory_space<vmem>> -> memref<1x8x128xi32, #tpu.memory_space<vmem>>
        %dma_wait3A_202 = tpu.memref_squeeze %dma_wait3A_201 : memref<1x8x128xi32, #tpu.memory_space<vmem>> -> memref<8x128xi32, #tpu.memory_space<vmem>>
        %dma_wait3A_203 = arith.constant 0 : i32
        %dma_wait3A_204 = tpu.memref_slice %arg4[%add3A_186, %dma_wait3A_203] : memref<2560x128xi32, #tpu.memory_space<hbm>> -> memref<8x128xi32, #tpu.memory_space<hbm>>
        %dma_wait3A_205 = arith.constant 0 : i32
        %dma_wait3A_206 = arith.constant 0 : i32
        %dma_wait3A_207 = tpu.memref_slice %arg9[%rem3A_120, %dma_wait3A_205, %dma_wait3A_206] : memref<2x8x128xi32, #tpu.memory_space<vmem>> -> memref<1x8x128xi32, #tpu.memory_space<vmem>>
        %dma_wait3A_208 = tpu.memref_squeeze %dma_wait3A_207 : memref<1x8x128xi32, #tpu.memory_space<vmem>> -> memref<8x128xi32, #tpu.memory_space<vmem>>
        %dma_wait3A_209 = arith.constant 0 : i32
        %dma_wait3A_210 = tpu.memref_slice %arg4[%add3A_186, %dma_wait3A_209] : memref<2560x128xi32, #tpu.memory_space<hbm>> -> memref<8x128xi32, #tpu.memory_space<hbm>>
        tpu.wait_dma2 semaphore(%arg17 : memref<!tpu.dma_semaphore, #tpu.memory_space<semaphore_mem>>) src(%dma_wait3A_210 : memref<8x128xi32, #tpu.memory_space<hbm>>) dst(%dma_wait3A_208 : memref<8x128xi32, #tpu.memory_space<vmem>>)
        %dma_start3A_211 = arith.constant 0 : i32
        %dma_start3A_212 = arith.constant 0 : i32
        %dma_start3A_213 = tpu.memref_slice %arg8[%rem3A_120, %dma_start3A_211, %dma_start3A_212] : memref<2x8x128xi32, #tpu.memory_space<vmem>> -> memref<1x1x128xi32, #tpu.memory_space<vmem>>
        %dma_start3A_214 = tpu.memref_squeeze %dma_start3A_213 : memref<1x1x128xi32, #tpu.memory_space<vmem>> -> memref<128xi32, #tpu.memory_space<vmem>>
        %dma_start3A_215 = arith.constant 0 : i32
        %dma_start3A_216 = arith.constant 0 : i32
        %dma_start3A_217 = tpu.memref_slice %arg2[%dma_start3A_215, %dma_start3A_216] : memref<10112x128xf32, #tpu.memory_space<hbm>> -> memref<10112x128xf32, #tpu.memory_space<hbm>>
        tpu.enqueue_indirect_dma source(%dma_start3A_217 : memref<10112x128xf32, #tpu.memory_space<hbm>>) target(%arg10 : memref<128x128xf32, #tpu.memory_space<vmem>>) offsets(%dma_start3A_214 : memref<128xi32, #tpu.memory_space<vmem>>) semaphore(%arg13 : memref<!tpu.dma_semaphore, #tpu.memory_space<semaphore_mem>>)
        %lt3A_218 = arith.constant 8 : i32
        %lt3A_219 = arith.cmpi slt, %add3A_115, %lt3A_218 : i32
        %convert_element_type3A_220 = arith.extui %lt3A_219 : i1 to i32
        %cond3A_221 = arith.constant 0 : i32
        %cond3A_222 = arith.cmpi ne, %convert_element_type3A_220, %cond3A_221 : i32
        scf.if %cond3A_222 {
          %add3A_223 = arith.constant 2 : i32
          %add3A_224 = arith.addi %add3A_115, %add3A_223 : i32
          %mul3A_225 = arith.constant 8 : i32
          %mul3A_226 = arith.muli %add3A_224, %mul3A_225 : i32
          %add3A_227 = arith.addi %mul3A_2, %mul3A_226 : i32
          %mul3A_228 = arith.constant 8 : i32
          %mul3A_229 = arith.muli %add3A_224, %mul3A_228 : i32
          %add3A_230 = arith.addi %mul3A_2, %mul3A_229 : i32
          %dma_start3A_231 = arith.constant 0 : i32
          %dma_start3A_232 = arith.constant 0 : i32
          %dma_start3A_233 = tpu.memref_slice %arg8[%rem3A_116, %dma_start3A_231, %dma_start3A_232] : memref<2x8x128xi32, #tpu.memory_space<vmem>> -> memref<1x8x128xi32, #tpu.memory_space<vmem>>
          %dma_start3A_234 = tpu.memref_squeeze %dma_start3A_233 : memref<1x8x128xi32, #tpu.memory_space<vmem>> -> memref<8x128xi32, #tpu.memory_space<vmem>>
          %dma_start3A_235 = arith.constant 0 : i32
          %dma_start3A_236 = tpu.memref_slice %arg3[%add3A_227, %dma_start3A_235] : memref<2560x128xi32, #tpu.memory_space<hbm>> -> memref<8x128xi32, #tpu.memory_space<hbm>>
          %dma_start3A_237 = arith.constant 0 : i32
          %dma_start3A_238 = arith.constant 0 : i32
          %dma_start3A_239 = tpu.memref_slice %arg8[%rem3A_116, %dma_start3A_237, %dma_start3A_238] : memref<2x8x128xi32, #tpu.memory_space<vmem>> -> memref<1x8x128xi32, #tpu.memory_space<vmem>>
          %dma_start3A_240 = tpu.memref_squeeze %dma_start3A_239 : memref<1x8x128xi32, #tpu.memory_space<vmem>> -> memref<8x128xi32, #tpu.memory_space<vmem>>
          %dma_start3A_241 = arith.constant 0 : i32
          %dma_start3A_242 = tpu.memref_slice %arg3[%add3A_227, %dma_start3A_241] : memref<2560x128xi32, #tpu.memory_space<hbm>> -> memref<8x128xi32, #tpu.memory_space<hbm>>
          tpu.enqueue_dma source(%dma_start3A_242 : memref<8x128xi32, #tpu.memory_space<hbm>>) target(%dma_start3A_240 : memref<8x128xi32, #tpu.memory_space<vmem>>) target_semaphore(%arg17 : memref<!tpu.dma_semaphore, #tpu.memory_space<semaphore_mem>>)
          %dma_start3A_243 = arith.constant 0 : i32
          %dma_start3A_244 = arith.constant 0 : i32
          %dma_start3A_245 = tpu.memref_slice %arg9[%rem3A_116, %dma_start3A_243, %dma_start3A_244] : memref<2x8x128xi32, #tpu.memory_space<vmem>> -> memref<1x8x128xi32, #tpu.memory_space<vmem>>
          %dma_start3A_246 = tpu.memref_squeeze %dma_start3A_245 : memref<1x8x128xi32, #tpu.memory_space<vmem>> -> memref<8x128xi32, #tpu.memory_space<vmem>>
          %dma_start3A_247 = arith.constant 0 : i32
          %dma_start3A_248 = tpu.memref_slice %arg4[%add3A_230, %dma_start3A_247] : memref<2560x128xi32, #tpu.memory_space<hbm>> -> memref<8x128xi32, #tpu.memory_space<hbm>>
          %dma_start3A_249 = arith.constant 0 : i32
          %dma_start3A_250 = arith.constant 0 : i32
          %dma_start3A_251 = tpu.memref_slice %arg9[%rem3A_116, %dma_start3A_249, %dma_start3A_250] : memref<2x8x128xi32, #tpu.memory_space<vmem>> -> memref<1x8x128xi32, #tpu.memory_space<vmem>>
          %dma_start3A_252 = tpu.memref_squeeze %dma_start3A_251 : memref<1x8x128xi32, #tpu.memory_space<vmem>> -> memref<8x128xi32, #tpu.memory_space<vmem>>
          %dma_start3A_253 = arith.constant 0 : i32
          %dma_start3A_254 = tpu.memref_slice %arg4[%add3A_230, %dma_start3A_253] : memref<2560x128xi32, #tpu.memory_space<hbm>> -> memref<8x128xi32, #tpu.memory_space<hbm>>
          tpu.enqueue_dma source(%dma_start3A_254 : memref<8x128xi32, #tpu.memory_space<hbm>>) target(%dma_start3A_252 : memref<8x128xi32, #tpu.memory_space<vmem>>) target_semaphore(%arg17 : memref<!tpu.dma_semaphore, #tpu.memory_space<semaphore_mem>>)
        } else {
        }
      } else {
      }
    }
    %scan3A_102 = arith.constant 10 : i32
    %barrier3A_103 = arith.constant 0 : index
    tpu.barrier barrier_id(%barrier3A_103)
    %eq3A = arith.constant 0 : i32
    %eq3A_104 = arith.cmpi eq, %arg0, %eq3A : i32
    %convert_element_type3A = arith.extui %eq3A_104 : i1 to i32
    %cond3A = arith.constant 0 : i32
    %cond3A_105 = arith.cmpi ne, %convert_element_type3A, %cond3A : i32
    scf.if %cond3A_105 {
      %mul3A_111 = arith.constant 632 : i32
      %mul3A_112 = arith.muli %arg1, %mul3A_111 : i32
      %mul3A_113 = arith.constant 632 : i32
      %mul3A_114 = arith.muli %arg1, %mul3A_113 : i32
      "tpu.region"() ({
        %run_scoped3A = tpu.sem_alloc : memref<!tpu.dma_semaphore, #tpu.memory_space<semaphore_mem>>
        %dma_start3A_115 = arith.constant 0 : i32
        %dma_start3A_116 = tpu.memref_slice %arg6[%mul3A_114, %dma_start3A_115] : memref<10112x128xf32, #tpu.memory_space<hbm>> -> memref<632x128xf32, #tpu.memory_space<hbm>>
        %dma_start3A_117 = arith.constant 0 : i32
        %dma_start3A_118 = tpu.memref_slice %arg12[%mul3A_112, %dma_start3A_117] : memref<10112x128xf32, #tpu.memory_space<vmem_shared>> -> memref<632x128xf32, #tpu.memory_space<vmem_shared>>
        tpu.enqueue_dma source(%dma_start3A_118 : memref<632x128xf32, #tpu.memory_space<vmem_shared>>) target(%dma_start3A_116 : memref<632x128xf32, #tpu.memory_space<hbm>>) target_semaphore(%run_scoped3A : memref<!tpu.dma_semaphore, #tpu.memory_space<semaphore_mem>>)
        %dma_wait3A_119 = arith.constant 0 : i32
        %dma_wait3A_120 = tpu.memref_slice %arg6[%mul3A_114, %dma_wait3A_119] : memref<10112x128xf32, #tpu.memory_space<hbm>> -> memref<632x128xf32, #tpu.memory_space<hbm>>
        %dma_wait3A_121 = arith.constant 0 : i32
        %dma_wait3A_122 = tpu.memref_slice %arg12[%mul3A_112, %dma_wait3A_121] : memref<10112x128xf32, #tpu.memory_space<vmem_shared>> -> memref<632x128xf32, #tpu.memory_space<vmem_shared>>
        tpu.wait_dma2 semaphore(%run_scoped3A : memref<!tpu.dma_semaphore, #tpu.memory_space<semaphore_mem>>) src(%dma_wait3A_122 : memref<632x128xf32, #tpu.memory_space<vmem_shared>>) dst(%dma_wait3A_120 : memref<632x128xf32, #tpu.memory_space<hbm>>)
        tpu.yield
      }) : () -> ()
    } else {
    }
    %eq3A_106 = arith.constant 1 : i32
    %eq3A_107 = arith.cmpi eq, %arg0, %eq3A_106 : i32
    %convert_element_type3A_108 = arith.extui %eq3A_107 : i1 to i32
    %cond3A_109 = arith.constant 0 : i32
    %cond3A_110 = arith.cmpi ne, %convert_element_type3A_108, %cond3A_109 : i32
    scf.if %cond3A_110 {
      %mul3A_111 = arith.constant 632 : i32
      %mul3A_112 = arith.muli %arg1, %mul3A_111 : i32
      %mul3A_113 = arith.constant 632 : i32
      %mul3A_114 = arith.muli %arg1, %mul3A_113 : i32
      "tpu.region"() ({
        %run_scoped3A = tpu.sem_alloc : memref<!tpu.dma_semaphore, #tpu.memory_space<semaphore_mem>>
        %dma_start3A_115 = arith.constant 0 : i32
        %dma_start3A_116 = tpu.memref_slice %arg7[%mul3A_114, %dma_start3A_115] : memref<10112x128xf32, #tpu.memory_space<hbm>> -> memref<632x128xf32, #tpu.memory_space<hbm>>
        %dma_start3A_117 = arith.constant 0 : i32
        %dma_start3A_118 = tpu.memref_slice %arg12[%mul3A_112, %dma_start3A_117] : memref<10112x128xf32, #tpu.memory_space<vmem_shared>> -> memref<632x128xf32, #tpu.memory_space<vmem_shared>>
        tpu.enqueue_dma source(%dma_start3A_118 : memref<632x128xf32, #tpu.memory_space<vmem_shared>>) target(%dma_start3A_116 : memref<632x128xf32, #tpu.memory_space<hbm>>) target_semaphore(%run_scoped3A : memref<!tpu.dma_semaphore, #tpu.memory_space<semaphore_mem>>)
        %dma_wait3A_119 = arith.constant 0 : i32
        %dma_wait3A_120 = tpu.memref_slice %arg7[%mul3A_114, %dma_wait3A_119] : memref<10112x128xf32, #tpu.memory_space<hbm>> -> memref<632x128xf32, #tpu.memory_space<hbm>>
        %dma_wait3A_121 = arith.constant 0 : i32
        %dma_wait3A_122 = tpu.memref_slice %arg12[%mul3A_112, %dma_wait3A_121] : memref<10112x128xf32, #tpu.memory_space<vmem_shared>> -> memref<632x128xf32, #tpu.memory_space<vmem_shared>>
        tpu.wait_dma2 semaphore(%run_scoped3A : memref<!tpu.dma_semaphore, #tpu.memory_space<semaphore_mem>>) src(%dma_wait3A_122 : memref<632x128xf32, #tpu.memory_space<vmem_shared>>) dst(%dma_wait3A_120 : memref<632x128xf32, #tpu.memory_space<hbm>>)
        tpu.yield
      }) : () -> ()
    } else {
    }
    return
  }
}

#map = affine_map<(d0, d1) -> (0, 0)>
module attributes {stable_mosaic.version = 14 : i64} {
  func.func @edge_pass(%arg0: i32, %arg1: i32, %arg2: memref<10112x64xf32, #tpu.memory_space<hbm>>, %arg3: memref<2560x128xi32, #tpu.memory_space<hbm>>, %arg4: memref<2560x128xi32, #tpu.memory_space<hbm>>, %arg5: memref<10112x64xf32, #tpu.memory_space<hbm>>, %arg6: memref<10112x64xf32, #tpu.memory_space<hbm>>, %arg7: memref<10112x64xf32, #tpu.memory_space<hbm>>, %arg8: memref<80x128xi32, #tpu.memory_space<vmem>>, %arg9: memref<80x128xi32, #tpu.memory_space<vmem>>, %arg10: memref<128x64xf32, #tpu.memory_space<vmem>>, %arg11: memref<128x64xf32, #tpu.memory_space<vmem>>, %arg12: memref<10112x64xf32, #tpu.memory_space<vmem_shared>>, %arg13: memref<!tpu.dma_semaphore, #tpu.memory_space<semaphore_mem>>, %arg14: memref<!tpu.dma_semaphore, #tpu.memory_space<semaphore_mem>>, %arg15: memref<!tpu.dma_semaphore, #tpu.memory_space<semaphore_mem>>, %arg16: memref<!tpu.dma_semaphore, #tpu.memory_space<semaphore_mem>>) attributes {dimension_semantics = [#tpu.dimension_semantics<core_parallel>, #tpu.dimension_semantics<subcore_parallel>], iteration_bounds = array<i64: 2, 16>, scalar_prefetch = 0 : i64, scratch_operands = 9 : i64, tpu.core_type = #tpu.core_type<sc_vector_subcore>, window_params = [{transform_indices = #map}, {transform_indices = #map}, {transform_indices = #map}, {transform_indices = #map}, {transform_indices = #map}, {transform_indices = #map}]} {
    %mul3A = arith.constant 16 : i32
    %mul3A_0 = arith.muli %arg0, %mul3A : i32
    %add3A = arith.addi %mul3A_0, %arg1 : i32
    %mul3A_1 = arith.constant 80 : i32
    %mul3A_2 = arith.muli %add3A, %mul3A_1 : i32
    "tpu.region"() ({
      %run_scoped3A = tpu.sem_alloc : memref<!tpu.dma_semaphore, #tpu.memory_space<semaphore_mem>>
      %dma_start3A_73 = arith.constant 0 : i32
      %dma_start3A_74 = tpu.memref_slice %arg3[%mul3A_2, %dma_start3A_73] : memref<2560x128xi32, #tpu.memory_space<hbm>> -> memref<80x128xi32, #tpu.memory_space<hbm>>
      %dma_start3A_75 = arith.constant 0 : i32
      %dma_start3A_76 = tpu.memref_slice %arg3[%mul3A_2, %dma_start3A_75] : memref<2560x128xi32, #tpu.memory_space<hbm>> -> memref<80x128xi32, #tpu.memory_space<hbm>>
      tpu.enqueue_dma source(%dma_start3A_76 : memref<80x128xi32, #tpu.memory_space<hbm>>) target(%arg8 : memref<80x128xi32, #tpu.memory_space<vmem>>) target_semaphore(%run_scoped3A : memref<!tpu.dma_semaphore, #tpu.memory_space<semaphore_mem>>)
      %dma_wait3A_77 = arith.constant 0 : i32
      %dma_wait3A_78 = tpu.memref_slice %arg3[%mul3A_2, %dma_wait3A_77] : memref<2560x128xi32, #tpu.memory_space<hbm>> -> memref<80x128xi32, #tpu.memory_space<hbm>>
      %dma_wait3A_79 = arith.constant 0 : i32
      %dma_wait3A_80 = tpu.memref_slice %arg3[%mul3A_2, %dma_wait3A_79] : memref<2560x128xi32, #tpu.memory_space<hbm>> -> memref<80x128xi32, #tpu.memory_space<hbm>>
      tpu.wait_dma2 semaphore(%run_scoped3A : memref<!tpu.dma_semaphore, #tpu.memory_space<semaphore_mem>>) src(%dma_wait3A_80 : memref<80x128xi32, #tpu.memory_space<hbm>>) dst(%arg8 : memref<80x128xi32, #tpu.memory_space<vmem>>)
      tpu.yield
    }) : () -> ()
    "tpu.region"() ({
      %run_scoped3A = tpu.sem_alloc : memref<!tpu.dma_semaphore, #tpu.memory_space<semaphore_mem>>
      %dma_start3A_73 = arith.constant 0 : i32
      %dma_start3A_74 = tpu.memref_slice %arg4[%mul3A_2, %dma_start3A_73] : memref<2560x128xi32, #tpu.memory_space<hbm>> -> memref<80x128xi32, #tpu.memory_space<hbm>>
      %dma_start3A_75 = arith.constant 0 : i32
      %dma_start3A_76 = tpu.memref_slice %arg4[%mul3A_2, %dma_start3A_75] : memref<2560x128xi32, #tpu.memory_space<hbm>> -> memref<80x128xi32, #tpu.memory_space<hbm>>
      tpu.enqueue_dma source(%dma_start3A_76 : memref<80x128xi32, #tpu.memory_space<hbm>>) target(%arg9 : memref<80x128xi32, #tpu.memory_space<vmem>>) target_semaphore(%run_scoped3A : memref<!tpu.dma_semaphore, #tpu.memory_space<semaphore_mem>>)
      %dma_wait3A_77 = arith.constant 0 : i32
      %dma_wait3A_78 = tpu.memref_slice %arg4[%mul3A_2, %dma_wait3A_77] : memref<2560x128xi32, #tpu.memory_space<hbm>> -> memref<80x128xi32, #tpu.memory_space<hbm>>
      %dma_wait3A_79 = arith.constant 0 : i32
      %dma_wait3A_80 = tpu.memref_slice %arg4[%mul3A_2, %dma_wait3A_79] : memref<2560x128xi32, #tpu.memory_space<hbm>> -> memref<80x128xi32, #tpu.memory_space<hbm>>
      tpu.wait_dma2 semaphore(%run_scoped3A : memref<!tpu.dma_semaphore, #tpu.memory_space<semaphore_mem>>) src(%dma_wait3A_80 : memref<80x128xi32, #tpu.memory_space<hbm>>) dst(%arg9 : memref<80x128xi32, #tpu.memory_space<vmem>>)
      tpu.yield
    }) : () -> ()
    %mul3A_3 = arith.constant 632 : i32
    %mul3A_4 = arith.muli %arg1, %mul3A_3 : i32
    %mul3A_5 = arith.constant 632 : i32
    %mul3A_6 = arith.muli %arg1, %mul3A_5 : i32
    "tpu.region"() ({
      %run_scoped3A = tpu.sem_alloc : memref<!tpu.dma_semaphore, #tpu.memory_space<semaphore_mem>>
      %dma_start3A_73 = arith.constant 0 : i32
      %dma_start3A_74 = tpu.memref_slice %arg12[%mul3A_6, %dma_start3A_73] : memref<10112x64xf32, #tpu.memory_space<vmem_shared>> -> memref<632x64xf32, #tpu.memory_space<vmem_shared>>
      %dma_start3A_75 = arith.constant 0 : i32
      %dma_start3A_76 = tpu.memref_slice %arg5[%mul3A_4, %dma_start3A_75] : memref<10112x64xf32, #tpu.memory_space<hbm>> -> memref<632x64xf32, #tpu.memory_space<hbm>>
      tpu.enqueue_dma source(%dma_start3A_76 : memref<632x64xf32, #tpu.memory_space<hbm>>) target(%dma_start3A_74 : memref<632x64xf32, #tpu.memory_space<vmem_shared>>) target_semaphore(%run_scoped3A : memref<!tpu.dma_semaphore, #tpu.memory_space<semaphore_mem>>)
      %dma_wait3A_77 = arith.constant 0 : i32
      %dma_wait3A_78 = tpu.memref_slice %arg12[%mul3A_6, %dma_wait3A_77] : memref<10112x64xf32, #tpu.memory_space<vmem_shared>> -> memref<632x64xf32, #tpu.memory_space<vmem_shared>>
      %dma_wait3A_79 = arith.constant 0 : i32
      %dma_wait3A_80 = tpu.memref_slice %arg5[%mul3A_4, %dma_wait3A_79] : memref<10112x64xf32, #tpu.memory_space<hbm>> -> memref<632x64xf32, #tpu.memory_space<hbm>>
      tpu.wait_dma2 semaphore(%run_scoped3A : memref<!tpu.dma_semaphore, #tpu.memory_space<semaphore_mem>>) src(%dma_wait3A_80 : memref<632x64xf32, #tpu.memory_space<hbm>>) dst(%dma_wait3A_78 : memref<632x64xf32, #tpu.memory_space<vmem_shared>>)
      tpu.yield
    }) : () -> ()
    %barrier3A = arith.constant 0 : index
    tpu.barrier barrier_id(%barrier3A)
    %dma_start3A = arith.constant 0 : i32
    %dma_start3A_7 = arith.constant 0 : i32
    %dma_start3A_8 = tpu.memref_slice %arg8[%dma_start3A, %dma_start3A_7] : memref<80x128xi32, #tpu.memory_space<vmem>> -> memref<1x128xi32, #tpu.memory_space<vmem>>
    %dma_start3A_9 = tpu.memref_squeeze %dma_start3A_8 : memref<1x128xi32, #tpu.memory_space<vmem>> -> memref<128xi32, #tpu.memory_space<vmem>>
    %dma_start3A_10 = arith.constant 0 : i32
    %dma_start3A_11 = arith.constant 0 : i32
    %dma_start3A_12 = tpu.memref_slice %arg2[%dma_start3A_10, %dma_start3A_11] : memref<10112x64xf32, #tpu.memory_space<hbm>> -> memref<10112x64xf32, #tpu.memory_space<hbm>>
    tpu.enqueue_indirect_dma source(%dma_start3A_12 : memref<10112x64xf32, #tpu.memory_space<hbm>>) target(%arg10 : memref<128x64xf32, #tpu.memory_space<vmem>>) offsets(%dma_start3A_9 : memref<128xi32, #tpu.memory_space<vmem>>) semaphore(%arg13 : memref<!tpu.dma_semaphore, #tpu.memory_space<semaphore_mem>>)
    %scan3A = arith.constant 0 : i32
    %scan3A_13 = arith.constant 39 : i32
    %scan3A_14 = arith.addi %scan3A, %scan3A_13 : i32
    %scan3A_15 = arith.constant 1 : i32
    scf.for %scan3A_73 = %scan3A to %scan3A_14 step %scan3A_15  : i32 {
      %mul3A_74 = arith.constant 1 : i32
      %mul3A_75 = arith.muli %scan3A_73, %mul3A_74 : i32
      %add3A_76 = arith.constant 0 : i32
      %add3A_77 = arith.addi %add3A_76, %mul3A_75 : i32
      %mul3A_78 = arith.constant 2 : i32
      %mul3A_79 = arith.muli %mul3A_78, %add3A_77 : i32
      %dma_wait3A_80 = arith.constant 0 : i32
      %dma_wait3A_81 = tpu.memref_slice %arg8[%mul3A_79, %dma_wait3A_80] : memref<80x128xi32, #tpu.memory_space<vmem>> -> memref<1x128xi32, #tpu.memory_space<vmem>>
      %dma_wait3A_82 = tpu.memref_squeeze %dma_wait3A_81 : memref<1x128xi32, #tpu.memory_space<vmem>> -> memref<128xi32, #tpu.memory_space<vmem>>
      %dma_wait3A_83 = arith.constant 0 : i32
      %dma_wait3A_84 = arith.constant 0 : i32
      %dma_wait3A_85 = tpu.memref_slice %arg2[%dma_wait3A_83, %dma_wait3A_84] : memref<10112x64xf32, #tpu.memory_space<hbm>> -> memref<10112x64xf32, #tpu.memory_space<hbm>>
      tpu.wait_indirect_dma semaphore(%arg13 : memref<!tpu.dma_semaphore, #tpu.memory_space<semaphore_mem>>) src(%dma_wait3A_85 : memref<10112x64xf32, #tpu.memory_space<hbm>>) dst(%arg10 : memref<128x64xf32, #tpu.memory_space<vmem>>)
      %dma_start3A_86 = arith.constant 0 : i32
      %dma_start3A_87 = tpu.memref_slice %arg9[%mul3A_79, %dma_start3A_86] : memref<80x128xi32, #tpu.memory_space<vmem>> -> memref<1x128xi32, #tpu.memory_space<vmem>>
      %dma_start3A_88 = tpu.memref_squeeze %dma_start3A_87 : memref<1x128xi32, #tpu.memory_space<vmem>> -> memref<128xi32, #tpu.memory_space<vmem>>
      %dma_start3A_89 = arith.constant 0 : i32
      %dma_start3A_90 = arith.constant 0 : i32
      %dma_start3A_91 = tpu.memref_slice %arg12[%dma_start3A_89, %dma_start3A_90] : memref<10112x64xf32, #tpu.memory_space<vmem_shared>> -> memref<10112x64xf32, #tpu.memory_space<vmem_shared>>
      tpu.enqueue_indirect_dma source(%arg10 : memref<128x64xf32, #tpu.memory_space<vmem>>) target(%dma_start3A_91 : memref<10112x64xf32, #tpu.memory_space<vmem_shared>>) offsets(%dma_start3A_88 : memref<128xi32, #tpu.memory_space<vmem>>) semaphore(%arg15 : memref<!tpu.dma_semaphore, #tpu.memory_space<semaphore_mem>>) {add = true}
      %add3A_92 = arith.constant 1 : i32
      %add3A_93 = arith.addi %mul3A_79, %add3A_92 : i32
      %dma_start3A_94 = arith.constant 0 : i32
      %dma_start3A_95 = tpu.memref_slice %arg8[%add3A_93, %dma_start3A_94] : memref<80x128xi32, #tpu.memory_space<vmem>> -> memref<1x128xi32, #tpu.memory_space<vmem>>
      %dma_start3A_96 = tpu.memref_squeeze %dma_start3A_95 : memref<1x128xi32, #tpu.memory_space<vmem>> -> memref<128xi32, #tpu.memory_space<vmem>>
      %dma_start3A_97 = arith.constant 0 : i32
      %dma_start3A_98 = arith.constant 0 : i32
      %dma_start3A_99 = tpu.memref_slice %arg2[%dma_start3A_97, %dma_start3A_98] : memref<10112x64xf32, #tpu.memory_space<hbm>> -> memref<10112x64xf32, #tpu.memory_space<hbm>>
      tpu.enqueue_indirect_dma source(%dma_start3A_99 : memref<10112x64xf32, #tpu.memory_space<hbm>>) target(%arg11 : memref<128x64xf32, #tpu.memory_space<vmem>>) offsets(%dma_start3A_96 : memref<128xi32, #tpu.memory_space<vmem>>) semaphore(%arg14 : memref<!tpu.dma_semaphore, #tpu.memory_space<semaphore_mem>>)
      %add3A_100 = arith.constant 1 : i32
      %add3A_101 = arith.addi %mul3A_79, %add3A_100 : i32
      %dma_wait3A_102 = arith.constant 0 : i32
      %dma_wait3A_103 = tpu.memref_slice %arg8[%add3A_101, %dma_wait3A_102] : memref<80x128xi32, #tpu.memory_space<vmem>> -> memref<1x128xi32, #tpu.memory_space<vmem>>
      %dma_wait3A_104 = tpu.memref_squeeze %dma_wait3A_103 : memref<1x128xi32, #tpu.memory_space<vmem>> -> memref<128xi32, #tpu.memory_space<vmem>>
      %dma_wait3A_105 = arith.constant 0 : i32
      %dma_wait3A_106 = arith.constant 0 : i32
      %dma_wait3A_107 = tpu.memref_slice %arg2[%dma_wait3A_105, %dma_wait3A_106] : memref<10112x64xf32, #tpu.memory_space<hbm>> -> memref<10112x64xf32, #tpu.memory_space<hbm>>
      tpu.wait_indirect_dma semaphore(%arg14 : memref<!tpu.dma_semaphore, #tpu.memory_space<semaphore_mem>>) src(%dma_wait3A_107 : memref<10112x64xf32, #tpu.memory_space<hbm>>) dst(%arg11 : memref<128x64xf32, #tpu.memory_space<vmem>>)
      %dma_start3A_108 = arith.constant 0 : i32
      %dma_start3A_109 = tpu.memref_slice %arg9[%add3A_101, %dma_start3A_108] : memref<80x128xi32, #tpu.memory_space<vmem>> -> memref<1x128xi32, #tpu.memory_space<vmem>>
      %dma_start3A_110 = tpu.memref_squeeze %dma_start3A_109 : memref<1x128xi32, #tpu.memory_space<vmem>> -> memref<128xi32, #tpu.memory_space<vmem>>
      %dma_start3A_111 = arith.constant 0 : i32
      %dma_start3A_112 = arith.constant 0 : i32
      %dma_start3A_113 = tpu.memref_slice %arg12[%dma_start3A_111, %dma_start3A_112] : memref<10112x64xf32, #tpu.memory_space<vmem_shared>> -> memref<10112x64xf32, #tpu.memory_space<vmem_shared>>
      tpu.enqueue_indirect_dma source(%arg11 : memref<128x64xf32, #tpu.memory_space<vmem>>) target(%dma_start3A_113 : memref<10112x64xf32, #tpu.memory_space<vmem_shared>>) offsets(%dma_start3A_110 : memref<128xi32, #tpu.memory_space<vmem>>) semaphore(%arg16 : memref<!tpu.dma_semaphore, #tpu.memory_space<semaphore_mem>>) {add = true}
      %dma_wait3A_114 = arith.constant 0 : i32
      %dma_wait3A_115 = tpu.memref_slice %arg9[%mul3A_79, %dma_wait3A_114] : memref<80x128xi32, #tpu.memory_space<vmem>> -> memref<1x128xi32, #tpu.memory_space<vmem>>
      %dma_wait3A_116 = tpu.memref_squeeze %dma_wait3A_115 : memref<1x128xi32, #tpu.memory_space<vmem>> -> memref<128xi32, #tpu.memory_space<vmem>>
      %dma_wait3A_117 = arith.constant 0 : i32
      %dma_wait3A_118 = arith.constant 0 : i32
      %dma_wait3A_119 = tpu.memref_slice %arg12[%dma_wait3A_117, %dma_wait3A_118] : memref<10112x64xf32, #tpu.memory_space<vmem_shared>> -> memref<10112x64xf32, #tpu.memory_space<vmem_shared>>
      tpu.wait_indirect_dma semaphore(%arg15 : memref<!tpu.dma_semaphore, #tpu.memory_space<semaphore_mem>>) src(%arg10 : memref<128x64xf32, #tpu.memory_space<vmem>>) dst(%dma_wait3A_119 : memref<10112x64xf32, #tpu.memory_space<vmem_shared>>)
      %add3A_120 = arith.constant 2 : i32
      %add3A_121 = arith.addi %mul3A_79, %add3A_120 : i32
      %dma_start3A_122 = arith.constant 0 : i32
      %dma_start3A_123 = tpu.memref_slice %arg8[%add3A_121, %dma_start3A_122] : memref<80x128xi32, #tpu.memory_space<vmem>> -> memref<1x128xi32, #tpu.memory_space<vmem>>
      %dma_start3A_124 = tpu.memref_squeeze %dma_start3A_123 : memref<1x128xi32, #tpu.memory_space<vmem>> -> memref<128xi32, #tpu.memory_space<vmem>>
      %dma_start3A_125 = arith.constant 0 : i32
      %dma_start3A_126 = arith.constant 0 : i32
      %dma_start3A_127 = tpu.memref_slice %arg2[%dma_start3A_125, %dma_start3A_126] : memref<10112x64xf32, #tpu.memory_space<hbm>> -> memref<10112x64xf32, #tpu.memory_space<hbm>>
      tpu.enqueue_indirect_dma source(%dma_start3A_127 : memref<10112x64xf32, #tpu.memory_space<hbm>>) target(%arg10 : memref<128x64xf32, #tpu.memory_space<vmem>>) offsets(%dma_start3A_124 : memref<128xi32, #tpu.memory_space<vmem>>) semaphore(%arg13 : memref<!tpu.dma_semaphore, #tpu.memory_space<semaphore_mem>>)
      %add3A_128 = arith.constant 1 : i32
      %add3A_129 = arith.addi %mul3A_79, %add3A_128 : i32
      %dma_wait3A_130 = arith.constant 0 : i32
      %dma_wait3A_131 = tpu.memref_slice %arg9[%add3A_129, %dma_wait3A_130] : memref<80x128xi32, #tpu.memory_space<vmem>> -> memref<1x128xi32, #tpu.memory_space<vmem>>
      %dma_wait3A_132 = tpu.memref_squeeze %dma_wait3A_131 : memref<1x128xi32, #tpu.memory_space<vmem>> -> memref<128xi32, #tpu.memory_space<vmem>>
      %dma_wait3A_133 = arith.constant 0 : i32
      %dma_wait3A_134 = arith.constant 0 : i32
      %dma_wait3A_135 = tpu.memref_slice %arg12[%dma_wait3A_133, %dma_wait3A_134] : memref<10112x64xf32, #tpu.memory_space<vmem_shared>> -> memref<10112x64xf32, #tpu.memory_space<vmem_shared>>
      tpu.wait_indirect_dma semaphore(%arg16 : memref<!tpu.dma_semaphore, #tpu.memory_space<semaphore_mem>>) src(%arg11 : memref<128x64xf32, #tpu.memory_space<vmem>>) dst(%dma_wait3A_135 : memref<10112x64xf32, #tpu.memory_space<vmem_shared>>)
    }
    %scan3A_16 = arith.constant 39 : i32
    %dma_wait3A = arith.constant 78 : i32
    %dma_wait3A_17 = arith.constant 0 : i32
    %dma_wait3A_18 = tpu.memref_slice %arg8[%dma_wait3A, %dma_wait3A_17] : memref<80x128xi32, #tpu.memory_space<vmem>> -> memref<1x128xi32, #tpu.memory_space<vmem>>
    %dma_wait3A_19 = tpu.memref_squeeze %dma_wait3A_18 : memref<1x128xi32, #tpu.memory_space<vmem>> -> memref<128xi32, #tpu.memory_space<vmem>>
    %dma_wait3A_20 = arith.constant 0 : i32
    %dma_wait3A_21 = arith.constant 0 : i32
    %dma_wait3A_22 = tpu.memref_slice %arg2[%dma_wait3A_20, %dma_wait3A_21] : memref<10112x64xf32, #tpu.memory_space<hbm>> -> memref<10112x64xf32, #tpu.memory_space<hbm>>
    tpu.wait_indirect_dma semaphore(%arg13 : memref<!tpu.dma_semaphore, #tpu.memory_space<semaphore_mem>>) src(%dma_wait3A_22 : memref<10112x64xf32, #tpu.memory_space<hbm>>) dst(%arg10 : memref<128x64xf32, #tpu.memory_space<vmem>>)
    %dma_start3A_23 = arith.constant 78 : i32
    %dma_start3A_24 = arith.constant 0 : i32
    %dma_start3A_25 = tpu.memref_slice %arg9[%dma_start3A_23, %dma_start3A_24] : memref<80x128xi32, #tpu.memory_space<vmem>> -> memref<1x128xi32, #tpu.memory_space<vmem>>
    %dma_start3A_26 = tpu.memref_squeeze %dma_start3A_25 : memref<1x128xi32, #tpu.memory_space<vmem>> -> memref<128xi32, #tpu.memory_space<vmem>>
    %dma_start3A_27 = arith.constant 0 : i32
    %dma_start3A_28 = arith.constant 0 : i32
    %dma_start3A_29 = tpu.memref_slice %arg12[%dma_start3A_27, %dma_start3A_28] : memref<10112x64xf32, #tpu.memory_space<vmem_shared>> -> memref<10112x64xf32, #tpu.memory_space<vmem_shared>>
    tpu.enqueue_indirect_dma source(%arg10 : memref<128x64xf32, #tpu.memory_space<vmem>>) target(%dma_start3A_29 : memref<10112x64xf32, #tpu.memory_space<vmem_shared>>) offsets(%dma_start3A_26 : memref<128xi32, #tpu.memory_space<vmem>>) semaphore(%arg15 : memref<!tpu.dma_semaphore, #tpu.memory_space<semaphore_mem>>) {add = true}
    %dma_start3A_30 = arith.constant 79 : i32
    %dma_start3A_31 = arith.constant 0 : i32
    %dma_start3A_32 = tpu.memref_slice %arg8[%dma_start3A_30, %dma_start3A_31] : memref<80x128xi32, #tpu.memory_space<vmem>> -> memref<1x128xi32, #tpu.memory_space<vmem>>
    %dma_start3A_33 = tpu.memref_squeeze %dma_start3A_32 : memref<1x128xi32, #tpu.memory_space<vmem>> -> memref<128xi32, #tpu.memory_space<vmem>>
    %dma_start3A_34 = arith.constant 0 : i32
    %dma_start3A_35 = arith.constant 0 : i32
    %dma_start3A_36 = tpu.memref_slice %arg2[%dma_start3A_34, %dma_start3A_35] : memref<10112x64xf32, #tpu.memory_space<hbm>> -> memref<10112x64xf32, #tpu.memory_space<hbm>>
    tpu.enqueue_indirect_dma source(%dma_start3A_36 : memref<10112x64xf32, #tpu.memory_space<hbm>>) target(%arg11 : memref<128x64xf32, #tpu.memory_space<vmem>>) offsets(%dma_start3A_33 : memref<128xi32, #tpu.memory_space<vmem>>) semaphore(%arg14 : memref<!tpu.dma_semaphore, #tpu.memory_space<semaphore_mem>>)
    %dma_wait3A_37 = arith.constant 79 : i32
    %dma_wait3A_38 = arith.constant 0 : i32
    %dma_wait3A_39 = tpu.memref_slice %arg8[%dma_wait3A_37, %dma_wait3A_38] : memref<80x128xi32, #tpu.memory_space<vmem>> -> memref<1x128xi32, #tpu.memory_space<vmem>>
    %dma_wait3A_40 = tpu.memref_squeeze %dma_wait3A_39 : memref<1x128xi32, #tpu.memory_space<vmem>> -> memref<128xi32, #tpu.memory_space<vmem>>
    %dma_wait3A_41 = arith.constant 0 : i32
    %dma_wait3A_42 = arith.constant 0 : i32
    %dma_wait3A_43 = tpu.memref_slice %arg2[%dma_wait3A_41, %dma_wait3A_42] : memref<10112x64xf32, #tpu.memory_space<hbm>> -> memref<10112x64xf32, #tpu.memory_space<hbm>>
    tpu.wait_indirect_dma semaphore(%arg14 : memref<!tpu.dma_semaphore, #tpu.memory_space<semaphore_mem>>) src(%dma_wait3A_43 : memref<10112x64xf32, #tpu.memory_space<hbm>>) dst(%arg11 : memref<128x64xf32, #tpu.memory_space<vmem>>)
    %dma_start3A_44 = arith.constant 79 : i32
    %dma_start3A_45 = arith.constant 0 : i32
    %dma_start3A_46 = tpu.memref_slice %arg9[%dma_start3A_44, %dma_start3A_45] : memref<80x128xi32, #tpu.memory_space<vmem>> -> memref<1x128xi32, #tpu.memory_space<vmem>>
    %dma_start3A_47 = tpu.memref_squeeze %dma_start3A_46 : memref<1x128xi32, #tpu.memory_space<vmem>> -> memref<128xi32, #tpu.memory_space<vmem>>
    %dma_start3A_48 = arith.constant 0 : i32
    %dma_start3A_49 = arith.constant 0 : i32
    %dma_start3A_50 = tpu.memref_slice %arg12[%dma_start3A_48, %dma_start3A_49] : memref<10112x64xf32, #tpu.memory_space<vmem_shared>> -> memref<10112x64xf32, #tpu.memory_space<vmem_shared>>
    tpu.enqueue_indirect_dma source(%arg11 : memref<128x64xf32, #tpu.memory_space<vmem>>) target(%dma_start3A_50 : memref<10112x64xf32, #tpu.memory_space<vmem_shared>>) offsets(%dma_start3A_47 : memref<128xi32, #tpu.memory_space<vmem>>) semaphore(%arg16 : memref<!tpu.dma_semaphore, #tpu.memory_space<semaphore_mem>>) {add = true}
    %dma_wait3A_51 = arith.constant 78 : i32
    %dma_wait3A_52 = arith.constant 0 : i32
    %dma_wait3A_53 = tpu.memref_slice %arg9[%dma_wait3A_51, %dma_wait3A_52] : memref<80x128xi32, #tpu.memory_space<vmem>> -> memref<1x128xi32, #tpu.memory_space<vmem>>
    %dma_wait3A_54 = tpu.memref_squeeze %dma_wait3A_53 : memref<1x128xi32, #tpu.memory_space<vmem>> -> memref<128xi32, #tpu.memory_space<vmem>>
    %dma_wait3A_55 = arith.constant 0 : i32
    %dma_wait3A_56 = arith.constant 0 : i32
    %dma_wait3A_57 = tpu.memref_slice %arg12[%dma_wait3A_55, %dma_wait3A_56] : memref<10112x64xf32, #tpu.memory_space<vmem_shared>> -> memref<10112x64xf32, #tpu.memory_space<vmem_shared>>
    tpu.wait_indirect_dma semaphore(%arg15 : memref<!tpu.dma_semaphore, #tpu.memory_space<semaphore_mem>>) src(%arg10 : memref<128x64xf32, #tpu.memory_space<vmem>>) dst(%dma_wait3A_57 : memref<10112x64xf32, #tpu.memory_space<vmem_shared>>)
    %dma_wait3A_58 = arith.constant 79 : i32
    %dma_wait3A_59 = arith.constant 0 : i32
    %dma_wait3A_60 = tpu.memref_slice %arg9[%dma_wait3A_58, %dma_wait3A_59] : memref<80x128xi32, #tpu.memory_space<vmem>> -> memref<1x128xi32, #tpu.memory_space<vmem>>
    %dma_wait3A_61 = tpu.memref_squeeze %dma_wait3A_60 : memref<1x128xi32, #tpu.memory_space<vmem>> -> memref<128xi32, #tpu.memory_space<vmem>>
    %dma_wait3A_62 = arith.constant 0 : i32
    %dma_wait3A_63 = arith.constant 0 : i32
    %dma_wait3A_64 = tpu.memref_slice %arg12[%dma_wait3A_62, %dma_wait3A_63] : memref<10112x64xf32, #tpu.memory_space<vmem_shared>> -> memref<10112x64xf32, #tpu.memory_space<vmem_shared>>
    tpu.wait_indirect_dma semaphore(%arg16 : memref<!tpu.dma_semaphore, #tpu.memory_space<semaphore_mem>>) src(%arg11 : memref<128x64xf32, #tpu.memory_space<vmem>>) dst(%dma_wait3A_64 : memref<10112x64xf32, #tpu.memory_space<vmem_shared>>)
    %barrier3A_65 = arith.constant 0 : index
    tpu.barrier barrier_id(%barrier3A_65)
    %eq3A = arith.constant 0 : i32
    %eq3A_66 = arith.cmpi eq, %arg0, %eq3A : i32
    %convert_element_type3A = arith.extui %eq3A_66 : i1 to i32
    %cond3A = arith.constant 0 : i32
    %cond3A_67 = arith.cmpi ne, %convert_element_type3A, %cond3A : i32
    scf.if %cond3A_67 {
      %mul3A_73 = arith.constant 632 : i32
      %mul3A_74 = arith.muli %arg1, %mul3A_73 : i32
      %mul3A_75 = arith.constant 632 : i32
      %mul3A_76 = arith.muli %arg1, %mul3A_75 : i32
      "tpu.region"() ({
        %run_scoped3A = tpu.sem_alloc : memref<!tpu.dma_semaphore, #tpu.memory_space<semaphore_mem>>
        %dma_start3A_77 = arith.constant 0 : i32
        %dma_start3A_78 = tpu.memref_slice %arg6[%mul3A_76, %dma_start3A_77] : memref<10112x64xf32, #tpu.memory_space<hbm>> -> memref<632x64xf32, #tpu.memory_space<hbm>>
        %dma_start3A_79 = arith.constant 0 : i32
        %dma_start3A_80 = tpu.memref_slice %arg12[%mul3A_74, %dma_start3A_79] : memref<10112x64xf32, #tpu.memory_space<vmem_shared>> -> memref<632x64xf32, #tpu.memory_space<vmem_shared>>
        tpu.enqueue_dma source(%dma_start3A_80 : memref<632x64xf32, #tpu.memory_space<vmem_shared>>) target(%dma_start3A_78 : memref<632x64xf32, #tpu.memory_space<hbm>>) target_semaphore(%run_scoped3A : memref<!tpu.dma_semaphore, #tpu.memory_space<semaphore_mem>>)
        %dma_wait3A_81 = arith.constant 0 : i32
        %dma_wait3A_82 = tpu.memref_slice %arg6[%mul3A_76, %dma_wait3A_81] : memref<10112x64xf32, #tpu.memory_space<hbm>> -> memref<632x64xf32, #tpu.memory_space<hbm>>
        %dma_wait3A_83 = arith.constant 0 : i32
        %dma_wait3A_84 = tpu.memref_slice %arg12[%mul3A_74, %dma_wait3A_83] : memref<10112x64xf32, #tpu.memory_space<vmem_shared>> -> memref<632x64xf32, #tpu.memory_space<vmem_shared>>
        tpu.wait_dma2 semaphore(%run_scoped3A : memref<!tpu.dma_semaphore, #tpu.memory_space<semaphore_mem>>) src(%dma_wait3A_84 : memref<632x64xf32, #tpu.memory_space<vmem_shared>>) dst(%dma_wait3A_82 : memref<632x64xf32, #tpu.memory_space<hbm>>)
        tpu.yield
      }) : () -> ()
    } else {
    }
    %eq3A_68 = arith.constant 1 : i32
    %eq3A_69 = arith.cmpi eq, %arg0, %eq3A_68 : i32
    %convert_element_type3A_70 = arith.extui %eq3A_69 : i1 to i32
    %cond3A_71 = arith.constant 0 : i32
    %cond3A_72 = arith.cmpi ne, %convert_element_type3A_70, %cond3A_71 : i32
    scf.if %cond3A_72 {
      %mul3A_73 = arith.constant 632 : i32
      %mul3A_74 = arith.muli %arg1, %mul3A_73 : i32
      %mul3A_75 = arith.constant 632 : i32
      %mul3A_76 = arith.muli %arg1, %mul3A_75 : i32
      "tpu.region"() ({
        %run_scoped3A = tpu.sem_alloc : memref<!tpu.dma_semaphore, #tpu.memory_space<semaphore_mem>>
        %dma_start3A_77 = arith.constant 0 : i32
        %dma_start3A_78 = tpu.memref_slice %arg7[%mul3A_76, %dma_start3A_77] : memref<10112x64xf32, #tpu.memory_space<hbm>> -> memref<632x64xf32, #tpu.memory_space<hbm>>
        %dma_start3A_79 = arith.constant 0 : i32
        %dma_start3A_80 = tpu.memref_slice %arg12[%mul3A_74, %dma_start3A_79] : memref<10112x64xf32, #tpu.memory_space<vmem_shared>> -> memref<632x64xf32, #tpu.memory_space<vmem_shared>>
        tpu.enqueue_dma source(%dma_start3A_80 : memref<632x64xf32, #tpu.memory_space<vmem_shared>>) target(%dma_start3A_78 : memref<632x64xf32, #tpu.memory_space<hbm>>) target_semaphore(%run_scoped3A : memref<!tpu.dma_semaphore, #tpu.memory_space<semaphore_mem>>)
        %dma_wait3A_81 = arith.constant 0 : i32
        %dma_wait3A_82 = tpu.memref_slice %arg7[%mul3A_76, %dma_wait3A_81] : memref<10112x64xf32, #tpu.memory_space<hbm>> -> memref<632x64xf32, #tpu.memory_space<hbm>>
        %dma_wait3A_83 = arith.constant 0 : i32
        %dma_wait3A_84 = tpu.memref_slice %arg12[%mul3A_74, %dma_wait3A_83] : memref<10112x64xf32, #tpu.memory_space<vmem_shared>> -> memref<632x64xf32, #tpu.memory_space<vmem_shared>>
        tpu.wait_dma2 semaphore(%run_scoped3A : memref<!tpu.dma_semaphore, #tpu.memory_space<semaphore_mem>>) src(%dma_wait3A_84 : memref<632x64xf32, #tpu.memory_space<vmem_shared>>) dst(%dma_wait3A_82 : memref<632x64xf32, #tpu.memory_space<hbm>>)
        tpu.yield
      }) : () -> ()
    } else {
    }
    return
  }
}

module attributes {stable_mosaic.version = 14 : i64} {
  func.func @_tc_layer1(%arg0: i32, %arg1: memref<1264x128xf32, #tpu.memory_space<vmem>>, %arg2: memref<128x128xf32, #tpu.memory_space<vmem>>, %arg3: memref<1264x64xf32, #tpu.memory_space<vmem>>, %arg4: memref<1264x128xf32, #tpu.memory_space<vmem>>) attributes {dimension_semantics = [#tpu.dimension_semantics<arbitrary>], iteration_bounds = array<i64: 8>, scalar_prefetch = 0 : i64, scratch_operands = 0 : i64, tpu.core_type = #tpu.core_type<tc>, window_params = [{transform_indices = @transform_0, window_bounds = array<i64: 1264, 128>}, {pipeline_mode = #tpu.pipeline_mode<synchronous>, transform_indices = @transform_1, window_bounds = array<i64: 128, 128>}, {transform_indices = @transform_2, window_bounds = array<i64: 1264, 64>}, {transform_indices = @transform_3, window_bounds = array<i64: 1264, 128>}]} {
    %get3A = arith.constant 0 : index
    %get3A_0 = arith.constant 0 : index
    %get3A_1 = vector.load %arg1[%get3A, %get3A_0] : memref<1264x128xf32, #tpu.memory_space<vmem>>, vector<1264x128xf32>
    %get3A_2 = arith.constant 0 : index
    %get3A_3 = arith.constant 0 : index
    %get3A_4 = vector.load %arg2[%get3A_2, %get3A_3] : memref<128x128xf32, #tpu.memory_space<vmem>>, vector<128x128xf32>
    %dot_general3A = arith.constant dense<0.000000e+00> : vector<1264x128xf32>
    %dot_general3A_5 = tpu.matmul %get3A_1, %get3A_4, %dot_general3A {dimension_numbers = #tpu.dot_dimension_numbers<[1], [0], [0], [1], [0, 0, 1, 1], [], []>, transpose_lhs_hint = false} : vector<1264x128xf32>, vector<128x128xf32>, vector<1264x128xf32> -> vector<1264x128xf32>
    %get3A_6 = arith.constant 0 : index
    %get3A_7 = arith.constant 0 : index
    %get3A_8 = vector.load %arg3[%get3A_6, %get3A_7] : memref<1264x64xf32, #tpu.memory_space<vmem>>, vector<1264x64xf32>
    %slice3A = vector.extract_strided_slice %get3A_8 {offsets = [0, 0], sizes = [1264, 16], strides = [1, 1]} : vector<1264x64xf32> to vector<1264x16xf32>
    %slice3A_9 = vector.extract_strided_slice %get3A_8 {offsets = [0, 16], sizes = [1264, 16], strides = [1, 1]} : vector<1264x64xf32> to vector<1264x16xf32>
    %add3A = arith.addf %slice3A, %slice3A_9 : vector<1264x16xf32>
    %slice3A_10 = vector.extract_strided_slice %add3A {offsets = [0, 0], sizes = [1264, 1], strides = [1, 1]} : vector<1264x16xf32> to vector<1264x1xf32>
    %max3A = arith.constant 1.000000e+00 : f32
    %max3A_11 = vector.broadcast %max3A : f32 to vector<1264x1xf32>
    %max3A_12 = arith.maximumf %slice3A_10, %max3A_11 : vector<1264x1xf32>
    %rsqrt3A = math.rsqrt %max3A_12 : vector<1264x1xf32>
    %mul3A = vector.broadcast %rsqrt3A : vector<1264x1xf32> to vector<1264x128xf32>
    %mul3A_13 = arith.mulf %dot_general3A_5, %mul3A : vector<1264x128xf32>
    %swap3A = arith.constant 0 : index
    %swap3A_14 = arith.constant 0 : index
    %swap3A_15 = vector.load %arg4[%swap3A, %swap3A_14] : memref<1264x128xf32, #tpu.memory_space<vmem>>, vector<1264x128xf32>
    tpu.vector_store %arg4[%swap3A, %swap3A_14], %mul3A_13 {strides = array<i32>} : memref<1264x128xf32, #tpu.memory_space<vmem>>, vector<1264x128xf32>,
    return
  }
  func.func @transform_0(%arg0: i32) -> (i32, i32) {
    %c0_i32 = arith.constant 0 : i32
    %c0_i32_0 = arith.constant 0 : i32
    return %arg0, %c0_i32 : i32, i32
  }
  func.func @transform_1(%arg0: i32) -> (i32, i32) {
    %c0_i32 = arith.constant 0 : i32
    %c0_i32_0 = arith.constant 0 : i32
    %c0_i32_1 = arith.constant 0 : i32
    return %c0_i32, %c0_i32_0 : i32, i32
  }
  func.func @transform_2(%arg0: i32) -> (i32, i32) {
    %c0_i32 = arith.constant 0 : i32
    %c0_i32_0 = arith.constant 0 : i32
    return %arg0, %c0_i32 : i32, i32
  }
  func.func @transform_3(%arg0: i32) -> (i32, i32) {
    %c0_i32 = arith.constant 0 : i32
    %c0_i32_0 = arith.constant 0 : i32
    return %arg0, %c0_i32 : i32, i32
  }
}

module attributes {stable_mosaic.version = 14 : i64} {
  func.func @_tc_mid(%arg0: i32, %arg1: memref<1264x128xf32, #tpu.memory_space<vmem>>, %arg2: memref<1264x128xf32, #tpu.memory_space<vmem>>, %arg3: memref<1264x64xf32, #tpu.memory_space<vmem>>, %arg4: memref<1x128xf32, #tpu.memory_space<vmem>>, %arg5: memref<128x64xf32, #tpu.memory_space<vmem>>, %arg6: memref<1264x64xf32, #tpu.memory_space<vmem>>) attributes {dimension_semantics = [#tpu.dimension_semantics<arbitrary>], iteration_bounds = array<i64: 8>, scalar_prefetch = 0 : i64, scratch_operands = 0 : i64, tpu.core_type = #tpu.core_type<tc>, window_params = [{transform_indices = @transform_0, window_bounds = array<i64: 1264, 128>}, {transform_indices = @transform_1, window_bounds = array<i64: 1264, 128>}, {transform_indices = @transform_2, window_bounds = array<i64: 1264, 64>}, {pipeline_mode = #tpu.pipeline_mode<synchronous>, transform_indices = @transform_3, window_bounds = array<i64: 1, 128>}, {pipeline_mode = #tpu.pipeline_mode<synchronous>, transform_indices = @transform_4, window_bounds = array<i64: 128, 64>}, {transform_indices = @transform_5, window_bounds = array<i64: 1264, 64>}]} {
    %get3A = arith.constant 0 : index
    %get3A_0 = arith.constant 0 : index
    %get3A_1 = vector.load %arg1[%get3A, %get3A_0] : memref<1264x128xf32, #tpu.memory_space<vmem>>, vector<1264x128xf32>
    %get3A_2 = arith.constant 0 : index
    %get3A_3 = arith.constant 0 : index
    %get3A_4 = vector.load %arg2[%get3A_2, %get3A_3] : memref<1264x128xf32, #tpu.memory_space<vmem>>, vector<1264x128xf32>
    %add3A = arith.addf %get3A_1, %get3A_4 : vector<1264x128xf32>
    %get3A_5 = arith.constant 0 : index
    %get3A_6 = arith.constant 0 : index
    %get3A_7 = vector.load %arg3[%get3A_5, %get3A_6] : memref<1264x64xf32, #tpu.memory_space<vmem>>, vector<1264x64xf32>
    %slice3A = vector.extract_strided_slice %get3A_7 {offsets = [0, 32], sizes = [1264, 16], strides = [1, 1]} : vector<1264x64xf32> to vector<1264x16xf32>
    %slice3A_8 = vector.extract_strided_slice %get3A_7 {offsets = [0, 48], sizes = [1264, 16], strides = [1, 1]} : vector<1264x64xf32> to vector<1264x16xf32>
    %add3A_9 = arith.addf %slice3A, %slice3A_8 : vector<1264x16xf32>
    %slice3A_10 = vector.extract_strided_slice %add3A_9 {offsets = [0, 0], sizes = [1264, 1], strides = [1, 1]} : vector<1264x16xf32> to vector<1264x1xf32>
    %max3A = arith.constant 1.000000e+00 : f32
    %max3A_11 = vector.broadcast %max3A : f32 to vector<1264x1xf32>
    %max3A_12 = arith.maximumf %slice3A_10, %max3A_11 : vector<1264x1xf32>
    %rsqrt3A = math.rsqrt %max3A_12 : vector<1264x1xf32>
    %mul3A = vector.broadcast %rsqrt3A : vector<1264x1xf32> to vector<1264x128xf32>
    %mul3A_13 = arith.mulf %add3A, %mul3A : vector<1264x128xf32>
    %get3A_14 = arith.constant 0 : index
    %get3A_15 = arith.constant 0 : index
    %get3A_16 = vector.load %arg4[%get3A_14, %get3A_15] : memref<1x128xf32, #tpu.memory_space<vmem>>, vector<1x128xf32>
    %add3A_17 = vector.broadcast %get3A_16 : vector<1x128xf32> to vector<1264x128xf32>
    %add3A_18 = arith.addf %mul3A_13, %add3A_17 : vector<1264x128xf32>
    %max3A_19 = arith.constant 0.000000e+00 : f32
    %max3A_20 = vector.broadcast %max3A_19 : f32 to vector<1264x128xf32>
    %max3A_21 = arith.maximumf %add3A_18, %max3A_20 : vector<1264x128xf32>
    %get3A_22 = arith.constant 0 : index
    %get3A_23 = arith.constant 0 : index
    %get3A_24 = vector.load %arg5[%get3A_22, %get3A_23] : memref<128x64xf32, #tpu.memory_space<vmem>>, vector<128x64xf32>
    %dot_general3A = arith.constant dense<0.000000e+00> : vector<1264x64xf32>
    %dot_general3A_25 = tpu.matmul %max3A_21, %get3A_24, %dot_general3A {dimension_numbers = #tpu.dot_dimension_numbers<[1], [0], [0], [1], [0, 0, 1, 1], [], []>, transpose_lhs_hint = false} : vector<1264x128xf32>, vector<128x64xf32>, vector<1264x64xf32> -> vector<1264x64xf32>
    %slice3A_26 = vector.extract_strided_slice %get3A_7 {offsets = [0, 0], sizes = [1264, 16], strides = [1, 1]} : vector<1264x64xf32> to vector<1264x16xf32>
    %slice3A_27 = vector.extract_strided_slice %get3A_7 {offsets = [0, 16], sizes = [1264, 16], strides = [1, 1]} : vector<1264x64xf32> to vector<1264x16xf32>
    %add3A_28 = arith.addf %slice3A_26, %slice3A_27 : vector<1264x16xf32>
    %slice3A_29 = vector.extract_strided_slice %add3A_28 {offsets = [0, 0], sizes = [1264, 1], strides = [1, 1]} : vector<1264x16xf32> to vector<1264x1xf32>
    %max3A_30 = arith.constant 1.000000e+00 : f32
    %max3A_31 = vector.broadcast %max3A_30 : f32 to vector<1264x1xf32>
    %max3A_32 = arith.maximumf %slice3A_29, %max3A_31 : vector<1264x1xf32>
    %rsqrt3A_33 = math.rsqrt %max3A_32 : vector<1264x1xf32>
    %mul3A_34 = vector.broadcast %rsqrt3A_33 : vector<1264x1xf32> to vector<1264x64xf32>
    %mul3A_35 = arith.mulf %dot_general3A_25, %mul3A_34 : vector<1264x64xf32>
    %swap3A = arith.constant 0 : index
    %swap3A_36 = arith.constant 0 : index
    %swap3A_37 = vector.load %arg6[%swap3A, %swap3A_36] : memref<1264x64xf32, #tpu.memory_space<vmem>>, vector<1264x64xf32>
    tpu.vector_store %arg6[%swap3A, %swap3A_36], %mul3A_35 {strides = array<i32>} : memref<1264x64xf32, #tpu.memory_space<vmem>>, vector<1264x64xf32>,
    return
  }
  func.func @transform_0(%arg0: i32) -> (i32, i32) {
    %c0_i32 = arith.constant 0 : i32
    %c0_i32_0 = arith.constant 0 : i32
    return %arg0, %c0_i32 : i32, i32
  }
  func.func @transform_1(%arg0: i32) -> (i32, i32) {
    %c0_i32 = arith.constant 0 : i32
    %c0_i32_0 = arith.constant 0 : i32
    return %arg0, %c0_i32 : i32, i32
  }
  func.func @transform_2(%arg0: i32) -> (i32, i32) {
    %c0_i32 = arith.constant 0 : i32
    %c0_i32_0 = arith.constant 0 : i32
    return %arg0, %c0_i32 : i32, i32
  }
  func.func @transform_3(%arg0: i32) -> (i32, i32) {
    %c0_i32 = arith.constant 0 : i32
    %c0_i32_0 = arith.constant 0 : i32
    %c0_i32_1 = arith.constant 0 : i32
    return %c0_i32, %c0_i32_0 : i32, i32
  }
  func.func @transform_4(%arg0: i32) -> (i32, i32) {
    %c0_i32 = arith.constant 0 : i32
    %c0_i32_0 = arith.constant 0 : i32
    %c0_i32_1 = arith.constant 0 : i32
    return %c0_i32, %c0_i32_0 : i32, i32
  }
  func.func @transform_5(%arg0: i32) -> (i32, i32) {
    %c0_i32 = arith.constant 0 : i32
    %c0_i32_0 = arith.constant 0 : i32
    return %arg0, %c0_i32 : i32, i32
  }
}

module attributes {stable_mosaic.version = 14 : i64} {
  func.func @_tc_final(%arg0: i32, %arg1: memref<1000x64xf32, #tpu.memory_space<vmem>>, %arg2: memref<1000x64xf32, #tpu.memory_space<vmem>>, %arg3: memref<1000x64xf32, #tpu.memory_space<vmem>>, %arg4: memref<1x64xf32, #tpu.memory_space<vmem>>, %arg5: memref<1000x64xf32, #tpu.memory_space<vmem>>) attributes {dimension_semantics = [#tpu.dimension_semantics<arbitrary>], iteration_bounds = array<i64: 10>, scalar_prefetch = 0 : i64, scratch_operands = 0 : i64, tpu.core_type = #tpu.core_type<tc>, window_params = [{transform_indices = @transform_0, window_bounds = array<i64: 1000, 64>}, {transform_indices = @transform_1, window_bounds = array<i64: 1000, 64>}, {transform_indices = @transform_2, window_bounds = array<i64: 1000, 64>}, {pipeline_mode = #tpu.pipeline_mode<synchronous>, transform_indices = @transform_3, window_bounds = array<i64: 1, 64>}, {transform_indices = @transform_4, window_bounds = array<i64: 1000, 64>}]} {
    %get3A = arith.constant 0 : index
    %get3A_0 = arith.constant 0 : index
    %get3A_1 = vector.load %arg1[%get3A, %get3A_0] : memref<1000x64xf32, #tpu.memory_space<vmem>>, vector<1000x64xf32>
    %get3A_2 = arith.constant 0 : index
    %get3A_3 = arith.constant 0 : index
    %get3A_4 = vector.load %arg2[%get3A_2, %get3A_3] : memref<1000x64xf32, #tpu.memory_space<vmem>>, vector<1000x64xf32>
    %add3A = arith.addf %get3A_1, %get3A_4 : vector<1000x64xf32>
    %get3A_5 = arith.constant 0 : index
    %get3A_6 = arith.constant 0 : index
    %get3A_7 = vector.load %arg3[%get3A_5, %get3A_6] : memref<1000x64xf32, #tpu.memory_space<vmem>>, vector<1000x64xf32>
    %slice3A = vector.extract_strided_slice %get3A_7 {offsets = [0, 32], sizes = [1000, 16], strides = [1, 1]} : vector<1000x64xf32> to vector<1000x16xf32>
    %slice3A_8 = vector.extract_strided_slice %get3A_7 {offsets = [0, 48], sizes = [1000, 16], strides = [1, 1]} : vector<1000x64xf32> to vector<1000x16xf32>
    %add3A_9 = arith.addf %slice3A, %slice3A_8 : vector<1000x16xf32>
    %slice3A_10 = vector.extract_strided_slice %add3A_9 {offsets = [0, 0], sizes = [1000, 1], strides = [1, 1]} : vector<1000x16xf32> to vector<1000x1xf32>
    %max3A = arith.constant 1.000000e+00 : f32
    %max3A_11 = vector.broadcast %max3A : f32 to vector<1000x1xf32>
    %max3A_12 = arith.maximumf %slice3A_10, %max3A_11 : vector<1000x1xf32>
    %rsqrt3A = math.rsqrt %max3A_12 : vector<1000x1xf32>
    %mul3A = vector.broadcast %rsqrt3A : vector<1000x1xf32> to vector<1000x64xf32>
    %mul3A_13 = arith.mulf %add3A, %mul3A : vector<1000x64xf32>
    %get3A_14 = arith.constant 0 : index
    %get3A_15 = arith.constant 0 : index
    %get3A_16 = vector.load %arg4[%get3A_14, %get3A_15] : memref<1x64xf32, #tpu.memory_space<vmem>>, vector<1x64xf32>
    %add3A_17 = vector.broadcast %get3A_16 : vector<1x64xf32> to vector<1000x64xf32>
    %add3A_18 = arith.addf %mul3A_13, %add3A_17 : vector<1000x64xf32>
    %swap3A = arith.constant 0 : index
    %swap3A_19 = arith.constant 0 : index
    %swap3A_20 = vector.load %arg5[%swap3A, %swap3A_19] : memref<1000x64xf32, #tpu.memory_space<vmem>>, vector<1000x64xf32>
    tpu.vector_store %arg5[%swap3A, %swap3A_19], %add3A_18 {strides = array<i32>} : memref<1000x64xf32, #tpu.memory_space<vmem>>, vector<1000x64xf32>,
    return
  }
  func.func @transform_0(%arg0: i32) -> (i32, i32) {
    %c0_i32 = arith.constant 0 : i32
    %c0_i32_0 = arith.constant 0 : i32
    return %arg0, %c0_i32 : i32, i32
  }
  func.func @transform_1(%arg0: i32) -> (i32, i32) {
    %c0_i32 = arith.constant 0 : i32
    %c0_i32_0 = arith.constant 0 : i32
    return %arg0, %c0_i32 : i32, i32
  }
  func.func @transform_2(%arg0: i32) -> (i32, i32) {
    %c0_i32 = arith.constant 0 : i32
    %c0_i32_0 = arith.constant 0 : i32
    return %arg0, %c0_i32 : i32, i32
  }
  func.func @transform_3(%arg0: i32) -> (i32, i32) {
    %c0_i32 = arith.constant 0 : i32
    %c0_i32_0 = arith.constant 0 : i32
    %c0_i32_1 = arith.constant 0 : i32
    return %c0_i32, %c0_i32_0 : i32, i32
  }
  func.func @transform_4(%arg0: i32) -> (i32, i32) {
    %c0_i32 = arith.constant 0 : i32
    %c0_i32_0 = arith.constant 0 : i32
    return %arg0, %c0_i32 : i32, i32
  }
}

</mosaic_0001>

<sc_bundles>
// kernel: kernel.11.cloned.1.call-start
scs
__scs_entry_jumppad:
0x0: {  	(pc) =	sbr.rel $0x88, $3  }
0x1: {  	(tag) =	ssettag $0x0;
	lr =	simm.s32 $0x1  }
0x2: {  	[smem:$0x3F9B] =	sst lr;
	_ =	strace $0xD0000000  }
0x3: {  	_ = 	snop  }
0x4: {  	_ = 	snop  }
0x5: {  	_ = 	snop  }
0x6: {  	_ = 	snop  }
0x7: {  	_ = 	snop  }
__scs_overlays_trampoline_lowered:
0x8: {  	[smem:$0x3FAA] =	sst s0  }
0x9: {  	[smem:$0x3FAB] =	sst s1  }
0xa: {  	[smem:$0x3FAC] =	sst s2  }
0xb: {  	[smem:$0x3FAD] =	sst s3  }
0xc: {  	[smem:$0x3FAE] =	sst s4  }
0xd: {  	[smem:$0x3FAF] =	sst s5  }
0xe: {  	[smem:$0x3FB0] =	sst s6  }
0xf: {  	[smem:$0x3FB1] =	sst s7  }
0x10: {  	[smem:$0x3FB2] =	sst s8  }
0x11: {  	[smem:$0x3FB3] =	sst s9;
	s0 =	simm.s32 @!p0 $0x0  }
0x12: {  	s1 =	sld [smem:$0x3F99];
	s0 =	simm.s32 @p0 $0x1  }
0x13: {  	[smem:$0x3FB4] =	sst s0;
	s0 =	simm.s32 @!p1 $0x0  }
0x14: {  	s2 =	sld [smem:$0x3F98];
	s0 =	simm.s32 @p1 $0x1  }
0x15: {  	[smem:$0x3FB5] =	sst s0;
	s0 =	simm.s32 @!p2 $0x0  }
0x16: {  	s3 =	sld [smem:$0x3FDB];
	s0 =	simm.s32 @p2 $0x1  }
0x17: {  	s4 =	simm.s32 $0x1BF5;
	[smem:$0x3FB7] =	sst s0  }
0x18: {  	s0 =	sld [smem:$0x3F9A];
	_ =	swait.ge [sflag:s4], $0x0  }
0x19: {  	s7 =	sld [smem:$0x3F9B]  }
0x1a: {  	s8 =	sadd.s32 $0xFFFFE003, lr  }
0x1b: {  	s9 =	sadd.s32 $0xFFFFFEF7, lr;
	s5 =	simm.s32 $0xFFFFFFFF;
	p2 =	slt.u32 s8, $0xFFFFF086  }
0x1c: {  	p1 =	slt.u32 s9, $0xF7A;
	s5 =	simm.s32 @!p2 $0x0  }
0x1d: {  	s5 =	simm.s32 @p1 $0x1;
	p0 =	seq.s32 s7, s2  }
0x1e: {  	s7 =	smul.u32 @!p0 $0xF7A, s2;
	p2 =	seq.s32 @!p0 s5, $0x0  }
0x1f: {  	s9 =	smul.u32 $0xF7A, s1;
	s8 =	simm.s32 @!p0 $0x1BF5;
	p2 =	por !p2, p0  }
0x20: {  	[sflag:s8] =	ssyncset.s32 @!p0 $0xFFFFF086;
	s6 =	sadd.s32 @!p0 s3, s7;
	s7 =	simm.s32 @!p0 $0x108  }
0x21: {  	s3 =	sadd.s32 s3, s9;
	s6 =	sadd.s32 @!p0 $0x88, s6;
	s7 =	simm.s32 @p2 $0x1082  }
0x22: {  	[simem:s7], [sflag:s8] =	dma.local @!p0 [hbm:s6], $0xF7A  }
0x23: {  	s9 =	sor.u32 $0xD0000000, s2;
	s6 =	simm.s32 $0x108;
	_ =	swait.ge @!p0 [sflag:s8], $0x0  }
0x24: {  	s3 =	sadd.s32 $0x88, s3;
	s6 =	simm.s32 @!p1 $0x1082;
	[sflag:s4] =	ssyncset.s32 $0xFFFFF086  }
0x25: {  	[simem:s6], [sflag:s4] =	dma.local [hbm:s3], $0xF7A  }
0x26: {  	[smem:$0x3F9B] =	sst s1;
	(tag) =	ssettag s2;
	_ =	strace s9  }
0x27: {  	s1 =	sld [smem:$0x3FAB]  }
0x28: {  	s2 =	sld [smem:$0x3FAC]  }
0x29: {  	s4 =	sld [smem:$0x3FAE]  }
0x2a: {  	p0 =	seq.s32 s5, $0x0;
	s5 =	sld [smem:$0x3FAF]  }
0x2b: {  	s6 =	sld [smem:$0x3FB0]  }
0x2c: {  	s7 =	sld [smem:$0x3FB1]  }
0x2d: {  	s3 =	simm.s32 $0x108;
	s8 =	sld [smem:$0x3FB2]  }
0x2e: {  	s3 =	simm.s32 @!p0 $0x1082;
	s9 =	sld [smem:$0x3FB3]  }
0x2f: {  	lr =	sadd.s32 s0, s3;
	s0 =	sld [smem:$0x3FAA]  }
0x30: {  	s3 =	sld [smem:$0x3FAD]  }
0x31: {  	[smem:$0x3FB6] =	sst s10  }
0x32: {  	s10 =	sld [smem:$0x3FB4];
	_ =	sdelay $0x3  }
0x33: {  	p0 =	seq.s32 s10, $0x1;
	s10 =	sld [smem:$0x3FB6];
	_ =	sdelay $0x3  }
0x34: {  	[smem:$0x3FB6] =	sst s10  }
0x35: {  	s10 =	sld [smem:$0x3FB5];
	_ =	sdelay $0x3  }
0x36: {  	p1 =	seq.s32 s10, $0x1;
	s10 =	sld [smem:$0x3FB6];
	_ =	sdelay $0x3  }
0x37: {  	[smem:$0x3FB6] =	sst s10  }
0x38: {  	s10 =	sld [smem:$0x3FB7]  }
0x39: {  	_ = 	snop;
	(pc) =	sbr.ind lr, $3  }
0x3a: {  	_ = 	snop  }
0x3b: {  	_ = 	snop  }
0x3c: {  	p2 =	seq.s32 s10, $0x1;
	s10 =	sld [smem:$0x3FB6]  }
0x3d: {  	_ =	shalt  }
0x3e: {  	_ =	shalt  }
0x3f: {  	_ =	shalt  }
0x40: {  	_ =	shalt  }
0x41: {  	_ =	shalt  }
0x42: {  	_ =	shalt  }
0x43: {  	_ =	shalt  }
0x44: {  	_ =	shalt  }
0x45: {  	_ =	shalt  }
0x46: {  	_ =	shalt  }
0x47: {  	_ =	shalt  }
0x48: {  	_ =	shalt  }
0x49: {  	_ =	shalt  }
0x4a: {  	_ =	shalt  }
0x4b: {  	_ =	shalt  }
0x4c: {  	_ =	shalt  }
0x4d: {  	_ =	shalt  }
0x4e: {  	_ =	shalt  }
0x4f: {  	_ =	shalt  }
0x50: {  	_ =	shalt  }
0x51: {  	_ =	shalt  }
0x52: {  	_ =	shalt  }
0x53: {  	_ =	shalt  }
0x54: {  	_ =	shalt  }
0x55: {  	_ =	shalt  }
0x56: {  	_ =	shalt  }
0x57: {  	_ =	shalt  }
0x58: {  	_ =	shalt  }
0x59: {  	_ =	shalt  }
0x5a: {  	_ =	shalt  }
0x5b: {  	_ =	shalt  }
0x5c: {  	_ =	shalt  }
0x5d: {  	_ =	shalt  }
0x5e: {  	_ =	shalt  }
0x5f: {  	_ =	shalt  }
0x60: {  	_ =	shalt  }
0x61: {  	_ =	shalt  }
0x62: {  	_ =	shalt  }
0x63: {  	_ =	shalt  }
0x64: {  	_ =	shalt  }
0x65: {  	_ =	shalt  }
0x66: {  	_ =	shalt  }
0x67: {  	_ =	shalt  }
0x68: {  	_ =	shalt  }
0x69: {  	_ =	shalt  }
0x6a: {  	_ =	shalt  }
0x6b: {  	_ =	shalt  }
0x6c: {  	_ =	shalt  }
0x6d: {  	_ =	shalt  }
0x6e: {  	_ =	shalt  }
0x6f: {  	_ =	shalt  }
0x70: {  	_ =	shalt  }
0x71: {  	_ =	shalt  }
0x72: {  	_ =	shalt  }
0x73: {  	_ =	shalt  }
0x74: {  	_ =	shalt  }
0x75: {  	_ =	shalt  }
0x76: {  	_ =	shalt  }
0x77: {  	_ =	shalt  }
0x78: {  	_ =	shalt  }
0x79: {  	_ =	shalt  }
0x7a: {  	_ =	shalt  }
0x7b: {  	_ =	shalt  }
0x7c: {  	_ =	shalt  }
0x7d: {  	_ =	shalt  }
0x7e: {  	_ =	shalt  }
0x7f: {  	_ =	shalt  }
0x80: {  	_ =	shalt  }
0x81: {  	_ =	shalt  }
0x82: {  	_ =	shalt  }
0x83: {  	_ =	shalt  }
0x84: {  	_ =	shalt  }
0x85: {  	_ =	shalt  }
0x86: {  	_ =	shalt  }
0x87: {  	_ =	shalt  }
.Lfunc_end0:
.L_simem_size_0:
called_computation.1_lowered:
.L_overlay_start_0:
0x88: {  	s2 =	sld [smem:$0x3FD9]  }
0x89: {  	s3 =	sld [smem:$0x3FFE];
	_ =	sdelay $0x1  }
0x8a: {  	s1 =	srdreg.scid  }
0x8b: {  	s0 =	sand.u32 $0x1, s1  }
0x8c: {  	s16 =	sshll.u32 s0, $0xA;
	s2 =	sadd.s32 s3, s2  }
0x8d: {  	s2 =	sadd.s32 s2, s16  }
0x8e: {  	[smem:$0x3FC2] =	sst s2  }
0x8f: {  	_ = 	snop  }
0x90: {  	(tm) =	ssettm $0x1  }
0x91: {  	s17 =	sld [smem:$0x3FFB];
	_ =	sdelay $0x3  }
0x92: {  	_ =	strace s17  }
0x93: {  	s2 =	sld [smem:$0x3FFC];
	_ =	sdelay $0x3  }
0x94: {  	_ =	strace s2  }
0x95: {  	s2 =	sld [smem:$0x3FFD];
	_ =	sdelay $0x3  }
0x96: {  	_ =	strace s2  }
0x97: {  	_ =	strace $0x8FFFFFFF  }
0x98: {  	s18 =	sld [smem:$0x3FDB];
	_ =	sdelay $0x1  }
0x99: {  	s19 =	simm.s32 $_scs_section_size  }
0x9a: {  	s4 =	simm.s32 $_size__tile_overlayer_lowered;
	s5 =	simm.s32 $_tile_overlayer_lowered  }
0x9b: {  	s22 =	simm.s32 $0x1BFF;
	s21 =	sshll.u32 s5, $0x1;
	s2 =	sadd.s32 s19, s18  }
0x9c: {  	s6 =	simm.s32 $0x0;
	s20 =	sshll.u32 s4, $0x1;
	s4 =	sadd.s32 s21, s2  }
0x9d: {  	[timem:s6], [sflag:s22] =	dma.local [hbm:s4], s20  }
0x9e: {  	_ =	swait.ge [sflag:s22], s20  }
0x9f: {  	s3 =	ssub.s32 $0x0, s20;
	[sflag:s22] =	ssyncset.done $0x0  }
0xa0: {  	[sflag:s22] =	ssyncadd.s32 s3;
	_ =	sdelay $0x1  }
0xa1: {  	s23 =	simm.s32 $0x1B8B  }
0xa2: {  	_ =	swait.ge [sflag:s23], $0x1  }
0xa3: {  	[sflag:s23] =	ssyncset.done $0x0  }
0xa4: {  	s25 =	simm.s32 $0x1B8E;
	s24 =	sld [smem:$0x3FFE];
	[sflag:s23] =	ssyncadd.s32 $0xFFFFFFFF  }
0xa5: {  	s26 =	simm.s32 $execute0_lowered;
	[smem:$0x3FD2] =	sst s25  }
0xa6: {  	s4 =	sshll.u32 s26, $0x1;
	_ =	strace $0x80000049;
	[dreg:$0x1] =	wrdreg $0xFFFFFFFF  }
0xa7: {  	s28 =	simm.s32 $_size_execute0_lowered;
	s2 =	sadd.s32 s2, s4;
	[dreg:$0x0] =	wrdreg $0x0  }
0xa8: {  	s4 =	sshll.u32 s28, $0x1;
	[dreg:$0x2] =	wrdreg s2  }
0xa9: {  	[dreg:$0x3] =	wrdreg s4  }
0xaa: {  	[dreg:$0x4] =	wrdreg $0xC0  }
0xab: {  	_ =	task [dreg:s6], $0x5FFFF  }
0xac: {  	[dreg:$0x1] =	wrdreg $0xFFFFFFFF  }
0xad: {  	[dreg:$0x0] =	wrdreg $0x60  }
0xae: {  	[dreg:$0x2] =	wrdreg s24  }
0xaf: {  	[dreg:$0x3] =	wrdreg $0x90000  }
0xb0: {  	[dreg:$0x4] =	wrdreg $0x9  }
0xb1: {  	_ =	task.clear_ibuf [dreg:s6], $0x5FFFF;
	_ =	strace $0x90000049  }
0xb2: {  	s29 =	simm.s32 $0x9;
	_ =	strace $0x8000004B  }
0xb3: {  	_ =	swait.ge [sflag:s29], $0x1  }
0xb4: {  	[sflag:s29] =	ssyncadd.s32 $0xFFFFFFFF  }
0xb5: {  	_ =	strace $0x9000004B  }
0xb6: {  	_ =	sfence  }
0xb7: {  	s30 =	sld [smem:$0x0];
	_ =	sdelay $0x2  }
0xb8: {  	s31 =	sshll.u32 s1, $0xD;
	s1 =	sshrl.u32 s1, $0x2  }
0xb9: {  	s3 =	sand.u32 $0x4000, s31;
	s1 =	sadd.s32 s1, s30  }
0xba: {  	s0 =	sor.u32 s3, s0;
	s1 =	sshll.u32 s1, $0x11  }
0xbb: {  	s0 =	sor.u32 s1, s0  }
0xbc: {  	s0 =	sadd.s32 $0x8F2B, s0  }
0xbd: {  	[sflag:s0] =	ssyncadd.remote.s32 $0x1  }
0xbe: {  	_ =	sfence.sel $0xFFFF  }
0xbf: {  	[dreg:$0x0] =	wrdreg $0xFFFFFFFF;
	(pc) =	sbr.abs _section_cstart, $3  }
0xc0: {  	[dreg:$0x1] =	wrdreg $0xFFFFFFFF  }
0xc1: {  	_ =	task.clear_ibuf [dreg:s6], $0x2FFFF;
	_ =	strace $0x9FFFFFFF  }
0xc2: {  	(tm) =	ssettm $0x7FFFFFFF  }
0xc3: {  	_ =	shalt  }
tec
execute0_lowered:
.L_overlay_start_1:
0x0: {  	(tag) =	ssettag $0x1  }
0x1: {  	s0 =	rddreg [dreg:$0x0]  }
0x2: {  	s1 =	rddreg [dreg:$0x1]  }
0x3: {  	s2 =	simm.s32 $0x0;
	s3 =	srdreg.scid;
	s16 =	stileid.u32  }
0x4: {  	s13 =	simm.s32 $0x8CE00;
	s18 =	simm.s32 $0x6;
	s21 =	simm.s32 $0x80  }
0x5: {  	s28 =	simm.s32 $0x4;
	s29 =	simm.s32 $0x0;
	[smem:$0x7FF] =	sst s2  }
0x6: {  	s3 =	sand.u32 $0x1, s3;
	s4 =	sadd.s32 $0x16600, s0;
	s6 =	smul.u32 $0x2780, s16  }
0x7: {  	s11 =	sadd.s32 $0xC600, s0;
	s12 =	sadd.s32 $0x2600, s0;
	s9 =	smul.u32 $0x4F000, s16  }
0x8: {  	s15 =	smul.u32 $0x500, s16;
	s31 =	sshll.u32 s16, $0x6;
	_ =	strace $0x8000004A  }
0x9: {  	s5 =	sshll.u32 s3, $0x4;
	s7 =	ssub.s32 $0x2, s3;
	p0 =	seq.s32 s3, $0x1  }
0xa: {  	s3 =	smul.u32 $0x5000, s3;
	s5 =	sor.u32 s16, s5;
	s22 =	sshrl.u32 s7, $0x1  }
0xb: {  	s0 =	sadd.s32 s6, s0;
	s25 =	sshrl.u32 s9, $0x2;
	s13 =	simm.s32 @!p0 $0x65600  }
0xc: {  	s16 =	sor.u32 $0x1C06, s31;
	s8 =	smul.u32 $0x500, s5;
	s10 =	ssub.s32 s7, s22  }
0xd: {  	s14 =	sadd.s32 s25, s1;
	s7 =	sadd.s32 $0x3DE00, s0;
	s22 =	simm.s32 $0x1  }
0xe: {  	s25 =	simm.s32 $0x2;
	s10 =	smax.u32 s10, $0x1;
	s23 =	sadd.s32 s11, s8  }
0xf: {  	s24 =	sadd.s32 s12, s8;
	s26 =	sor.u32 $0x80, s8;
	[dreg:$0x3] =	wrdreg s23  }
0x10: {  	s17 =	sshrl.u32 s14, $0x3;
	[dreg:$0x4] =	wrdreg s24;
	s8 =	sadd.s32 s11, s26  }
0x11: {  	s9 =	sadd.s32 s12, s26;
	s12 =	sadd.s32 s3, s12;
	s3 =	sadd.s32 s3, s11  }
0x12: {  	s11 =	sadd.s32 s13, s0;
	s23 =	simm.s32 $0x1000;
	s24 =	simm.s32 $0x5000  }
0x13: {  	s26 =	simm.s32 $0x3;
	s30 =	sadd.s32 s15, s12;
	s3 =	sadd.s32 s15, s3  }
0x14: {  	s15 =	simm.s32 $0x5;
	s12 =	sadd.s32 $0x100, s30;
	s13 =	sadd.s32 $0x100, s3  }
.LBB2_1:
0x15: {  	s0 =	rddreg [dreg:$0x3]  }
0x16: {  	[tilespmem:s2], [sflag:$0x5] =	stream.linear.gather [hbm4b:s0+s2], $0x400, $0x38;
	[tilespmem:$0x1CC00] =	vst v63  }
0x17: {  	s14 =	rddreg [dreg:$0x4];
	s3 =	simm.s32 $0x800  }
0x18: {  	[tilespmem:s3], [sflag:$0x5] =	stream.linear.gather [hbm4b:s14+s2], $0x400, $0x38;
	[tilespmem:$0x1CC00] =	vst v63  }
0x19: {  	_ =	swait.ge [sflag:s15], $0x400  }
0x1a: {  	[sflag:s15] =	ssyncset.done $0x0  }
0x1b: {  	[sflag:s15] =	ssyncadd.s32 $0xFFFFFC00  }
0x1c: {  	_ =	swait.ge [sflag:s15], $0x400  }
0x1d: {  	[sflag:s15] =	ssyncset.done $0x0  }
0x1e: {  	[sflag:s15] =	ssyncadd.s32 $0xFFFFFC00  }
0x1f: {  	[spmem:s17], [sflag:s16] =	dma.local [hbm:s7], $0x2780  }
0x20: {  	_ =	swait.ge [sflag:s18], $0x2780  }
0x21: {  	[sflag:s18] =	ssyncset.done $0x0  }
0x22: {  	[sflag:s18] =	ssyncadd.s32 $0xFFFFD880  }
0x23: {  	s19 =	simm.s32 $0x400;
	[bflag:$0x0] =	sbarrier.arrive $0xFFFF  }
0x24: {  	[tilespmem:s19], [sflag:$0x5] =	stream.linear.gather [hbm4b:s8+s2], $0x400, $0x38;
	[tilespmem:$0x1CC00] =	vst v63  }
0x25: {  	s20 =	simm.s32 $0xC00;
	s30 =	simm.s32 $0x1000  }
0x26: {  	[tilespmem:s20], [sflag:$0x5] =	stream.linear.gather [hbm4b:s9+s2], $0x400, $0x38;
	[tilespmem:$0x1CC00] =	vst v63  }
0x27: {  	s31 =	simm.s32 $0x0;
	s0 =	simm.s32 $0x0;
	s3 =	simm.s32 $0x0  }
0x28: {  	[tilespmem:s23], [sflag:$0x1] =	stream.indirect.gather [hbm4b:s4+s21], $0x80, s2, s21, $0xb8;
	[tilespmem:$0x1CC00] =	vst v63  }
.LBB2_2:
0x29: {  	_ =	swait.ge [sflag:s22], $0x4000  }
0x2a: {  	s19 =	sand.u32 $0x400, s0;
	[sflag:s22] =	ssyncset.done $0x0  }
0x2b: {  	s14 =	sor.u32 $0x800, s19;
	[sflag:s22] =	ssyncadd.s32 $0xFFFFC000  }
0x2c: {  	[spmem:s1] =	stream.indirect.scatter.add.f32 [tilespmem:s23], [sflag:$0x3], $0x80, s14, s21, $0xb8;
	[tilespmem:$0x1CC00] =	vst v63  }
0x2d: {  	s20 =	sor.u32 $0x80, s19  }
0x2e: {  	[tilespmem:s24], [sflag:$0x2] =	stream.indirect.gather [hbm4b:s4+s21], $0x80, s20, s21, $0xb8;
	[tilespmem:$0x1CC00] =	vst v63  }
0x2f: {  	_ =	swait.ge [sflag:s25], $0x4000  }
0x30: {  	[sflag:s25] =	ssyncset.done $0x0  }
0x31: {  	s6 =	sor.u32 $0x880, s19;
	[sflag:s25] =	ssyncadd.s32 $0xFFFFC000  }
0x32: {  	[spmem:s1] =	stream.indirect.scatter.add.f32 [tilespmem:s24], [sflag:$0x4], $0x80, s6, s21, $0xb8;
	[tilespmem:$0x1CC00] =	vst v63  }
0x33: {  	_ =	swait.ge [sflag:s26], $0x4000  }
0x34: {  	[sflag:s26] =	ssyncset.done $0x0  }
0x35: {  	s5 =	sor.u32 $0x100, s19;
	[sflag:s26] =	ssyncadd.s32 $0xFFFFC000  }
0x36: {  	[tilespmem:s23], [sflag:$0x1] =	stream.indirect.gather [hbm4b:s4+s21], $0x80, s5, s21, $0xb8;
	[tilespmem:$0x1CC00] =	vst v63  }
0x37: {  	_ =	swait.ge [sflag:s28], $0x4000  }
0x38: {  	[sflag:s28] =	ssyncset.done $0x0  }
0x39: {  	[sflag:s28] =	ssyncadd.s32 $0xFFFFC000  }
0x3a: {  	_ =	swait.ge [sflag:s22], $0x4000  }
0x3b: {  	[sflag:s22] =	ssyncset.done $0x0  }
0x3c: {  	s6 =	sor.u32 $0x900, s19;
	[sflag:s22] =	ssyncadd.s32 $0xFFFFC000  }
0x3d: {  	[spmem:s1] =	stream.indirect.scatter.add.f32 [tilespmem:s23], [sflag:$0x3], $0x80, s6, s21, $0xb8;
	[tilespmem:$0x1CC00] =	vst v63  }
0x3e: {  	s5 =	sor.u32 $0x180, s19  }
0x3f: {  	[tilespmem:s24], [sflag:$0x2] =	stream.indirect.gather [hbm4b:s4+s21], $0x80, s5, s21, $0xb8;
	[tilespmem:$0x1CC00] =	vst v63  }
0x40: {  	_ =	swait.ge [sflag:s25], $0x4000  }
0x41: {  	[sflag:s25] =	ssyncset.done $0x0  }
0x42: {  	s6 =	sor.u32 $0x980, s19;
	[sflag:s25] =	ssyncadd.s32 $0xFFFFC000  }
0x43: {  	[spmem:s1] =	stream.indirect.scatter.add.f32 [tilespmem:s24], [sflag:$0x4], $0x80, s6, s21, $0xb8;
	[tilespmem:$0x1CC00] =	vst v63  }
0x44: {  	_ =	swait.ge [sflag:s26], $0x4000  }
0x45: {  	[sflag:s26] =	ssyncset.done $0x0  }
0x46: {  	s5 =	sor.u32 $0x200, s19;
	[sflag:s26] =	ssyncadd.s32 $0xFFFFC000  }
0x47: {  	[tilespmem:s23], [sflag:$0x1] =	stream.indirect.gather [hbm4b:s4+s21], $0x80, s5, s21, $0xb8;
	[tilespmem:$0x1CC00] =	vst v63  }
0x48: {  	_ =	swait.ge [sflag:s28], $0x4000  }
0x49: {  	[sflag:s28] =	ssyncset.done $0x0  }
0x4a: {  	[sflag:s28] =	ssyncadd.s32 $0xFFFFC000  }
0x4b: {  	_ =	swait.ge [sflag:s22], $0x4000  }
0x4c: {  	[sflag:s22] =	ssyncset.done $0x0  }
0x4d: {  	s6 =	sor.u32 $0xA00, s19;
	[sflag:s22] =	ssyncadd.s32 $0xFFFFC000  }
0x4e: {  	[spmem:s1] =	stream.indirect.scatter.add.f32 [tilespmem:s23], [sflag:$0x3], $0x80, s6, s21, $0xb8;
	[tilespmem:$0x1CC00] =	vst v63  }
0x4f: {  	s5 =	sor.u32 $0x280, s19  }
0x50: {  	[tilespmem:s24], [sflag:$0x2] =	stream.indirect.gather [hbm4b:s4+s21], $0x80, s5, s21, $0xb8;
	[tilespmem:$0x1CC00] =	vst v63  }
0x51: {  	_ =	swait.ge [sflag:s25], $0x4000  }
0x52: {  	[sflag:s25] =	ssyncset.done $0x0  }
0x53: {  	s6 =	sor.u32 $0xA80, s19;
	[sflag:s25] =	ssyncadd.s32 $0xFFFFC000  }
0x54: {  	[spmem:s1] =	stream.indirect.scatter.add.f32 [tilespmem:s24], [sflag:$0x4], $0x80, s6, s21, $0xb8;
	[tilespmem:$0x1CC00] =	vst v63  }
0x55: {  	_ =	swait.ge [sflag:s26], $0x4000  }
0x56: {  	[sflag:s26] =	ssyncset.done $0x0  }
0x57: {  	s5 =	sor.u32 $0x300, s19;
	[sflag:s26] =	ssyncadd.s32 $0xFFFFC000  }
0x58: {  	[tilespmem:s23], [sflag:$0x1] =	stream.indirect.gather [hbm4b:s4+s21], $0x80, s5, s21, $0xb8;
	[tilespmem:$0x1CC00] =	vst v63  }
0x59: {  	_ =	swait.ge [sflag:s28], $0x4000  }
0x5a: {  	[sflag:s28] =	ssyncset.done $0x0  }
0x5b: {  	[sflag:s28] =	ssyncadd.s32 $0xFFFFC000  }
0x5c: {  	_ =	swait.ge [sflag:s22], $0x4000  }
0x5d: {  	[sflag:s22] =	ssyncset.done $0x0  }
0x5e: {  	s6 =	sor.u32 $0xB00, s19;
	[sflag:s22] =	ssyncadd.s32 $0xFFFFC000  }
0x5f: {  	[spmem:s1] =	stream.indirect.scatter.add.f32 [tilespmem:s23], [sflag:$0x3], $0x80, s6, s21, $0xb8;
	[tilespmem:$0x1CC00] =	vst v63  }
0x60: {  	s5 =	sor.u32 $0x380, s19  }
0x61: {  	[tilespmem:s24], [sflag:$0x2] =	stream.indirect.gather [hbm4b:s4+s21], $0x80, s5, s21, $0xb8;
	[tilespmem:$0x1CC00] =	vst v63  }
0x62: {  	_ =	swait.ge [sflag:s25], $0x4000  }
0x63: {  	[sflag:s25] =	ssyncset.done $0x0  }
0x64: {  	s6 =	sor.u32 $0xB80, s19;
	[sflag:s25] =	ssyncadd.s32 $0xFFFFC000  }
0x65: {  	[spmem:s1] =	stream.indirect.scatter.add.f32 [tilespmem:s24], [sflag:$0x4], $0x80, s6, s21, $0xb8;
	[tilespmem:$0x1CC00] =	vst v63  }
0x66: {  	_ =	swait.ge [sflag:s26], $0x4000  }
0x67: {  	[sflag:s26] =	ssyncset.done $0x0  }
0x68: {  	[sflag:s26] =	ssyncadd.s32 $0xFFFFC000  }
0x69: {  	_ =	swait.ge [sflag:s28], $0x4000  }
0x6a: {  	p0 =	seq.s32 s31, $0x480;
	[sflag:s28] =	ssyncset.done $0x0  }
0x6b: {  	s20 =	simm.s32 @!p0 $0x5;
	[sflag:s28] =	ssyncadd.s32 $0xFFFFC000  }
0x6c: {  	_ =	swait.ge @!p0 [sflag:s20], $0x400  }
0x6d: {  	[sflag:s20] =	ssyncset.done @!p0 $0x0  }
0x6e: {  	[sflag:s20] =	ssyncadd.s32 @!p0 $0xFFFFFC00  }
0x6f: {  	_ =	swait.ge @!p0 [sflag:s20], $0x400  }
0x70: {  	p1 =	sgt.u32 @!p0 s3, $0x7;
	[sflag:s20] =	ssyncset.done @!p0 $0x0  }
0x71: {  	p1 =	por p1, p0;
	[sflag:s20] =	ssyncadd.s32 @!p0 $0xFFFFFC00;
	s20 =	sand.u32 @!p0 $0x1000, s30  }
0x72: {  	s5 =	simm.s32 @!p0 $0x80;
	s6 =	simm.s32 @!p0 $0x1000;
	s20 =	sshrl.u32 @!p0 s20, $0x2  }
0x73: {  	[tilespmem:s6], [sflag:$0x1] =	stream.indirect.gather @!p0 [hbm4b:s4+s5], $0x80, s20, s5, $0xb8;
	[tilespmem:$0x1CC00] =	vst v63  }
0x74: {  	s5 =	sadd.s32 @!p1 s31, s13;
	s6 =	simm.s32 @!p1 $0x0  }
0x75: {  	[tilespmem:s19], [sflag:$0x5] =	stream.linear.gather @!p1 [hbm4b:s5+s6], $0x400, $0x38;
	[tilespmem:$0x1CC00] =	vst v63  }
0x76: {  	s5 =	sadd.s32 @!p1 s31, s12;
	s31 =	sadd.s32 @!p0 $0x80, s31  }
0x77: {  	[tilespmem:s14], [sflag:$0x5] =	stream.linear.gather @!p1 [hbm4b:s5+s6], $0x400, $0x38;
	[tilespmem:$0x1CC00] =	vst v63  }
0x78: {  	p1 =	sne.s32 @!p0 s31, $0x500  }
0x79: {  	p1 =	por p0, !p1  }
.Ltmp0:
0x7a: {  	_ = 	snop;
	(pc) =	sbr.rel @!p1 .LBB2_2-.Ltmp0, $2  }
0x7b: {  	_ =	sdelay $0x2  }
0x7c: {  	s0 =	sadd.s32 @!p0 $0x400, s0;
	s3 =	sadd.s32 @!p0 $0x1, s3;
	s30 =	sadd.s32 @!p0 $0x1000, s30  }
0x7d: {  	s29 =	sadd.s32 $0x1, s29  }
0x7e: {  	p0 =	sne.s32 s29, s10  }
.Ltmp1:
0x7f: {  	[bflag:$0x0] =	sbarrier.arrive $0xFFFF;
	(pc) =	sbr.rel @p0 .LBB2_1-.Ltmp1, $4  }
0x80: {  	[hbm:s11], [sflag:s16] =	dma.local [spmem:s17], $0x2780  }
0x81: {  	_ =	swait.ge [sflag:s18], $0x2780  }
0x82: {  	[sflag:s18] =	ssyncset.done $0x0  }
0x83: {  	[sflag:s18] =	ssyncadd.s32 $0xFFFFD880  }
0x84: {  	_ =	sfence.sel $0x180000  }
0x85: {  	[bflag:$0x0] =	sbarrier.arrive $0xFFFF  }
0x86: {  	_ =	strace $0x9000004A  }
0x87: {  	s0 =	stileid.u32;
	[bflag:$0x2] =	sbarrier.arrive $0xFFFF  }
0x88: {  	p0 =	sne.s32 s0, $0x0;
	s0 =	rddreg [dreg:$0x2]  }
0x89: {  	s0 =	sadd.s32 @!p0 $0x100000, s0  }
0x8a: {  	[sflag:s0] =	ssyncadd.tile.s32 @!p0 $0x1;
	_ =	shalt  }
.Lfunc_end2:
_tile_overlayer_lowered:
.L_overlay_start_2:
0x8b: {  	(tag) =	ssettag $0x2  }
0x8c: {  	s0 =	rddreg [dreg:$0x0];
	s2 =	stileid.u32  }
0x8d: {  	s1 =	rddreg [dreg:$0x1];
	p0 =	sne.s32 s2, $0x0  }
0x8e: {  	s3 =	rddreg [dreg:$0x2];
	[bflag:$0x3] =	sbarrier.arrive $0xFFFF;
	s2 =	simm.s32 @!p0 $0x1C06  }
0x8f: {  	[timem:s3], [sflag:s2] =	dma.local @!p0 [hbm:s0], s1  }
0x90: {  	s0 =	simm.s32 @!p0 $0x6  }
0x91: {  	_ =	swait.ge @!p0 [sflag:s0], s1  }
0x92: {  	s1 =	ssub.s32 @!p0 $0x0, s1;
	[sflag:s0] =	ssyncset.done @!p0 $0x0  }
0x93: {  	[sflag:s0] =	ssyncadd.s32 @!p0 s1  }
0x94: {  	[bflag:$0x3] =	sbarrier.arrive $0xFFFF  }
0x95: {  	_ =	shalt  }

// kernel: kernel.14.cloned.1.call-start
scs
__scs_entry_jumppad:
0x0: {  	(pc) =	sbr.rel $0x88, $3  }
0x1: {  	(tag) =	ssettag $0x0;
	lr =	simm.s32 $0x1  }
0x2: {  	[smem:$0x3F9B] =	sst lr;
	_ =	strace $0xD0000000  }
0x3: {  	_ = 	snop  }
0x4: {  	_ = 	snop  }
0x5: {  	_ = 	snop  }
0x6: {  	_ = 	snop  }
0x7: {  	_ = 	snop  }
__scs_overlays_trampoline_lowered:
0x8: {  	[smem:$0x3FAA] =	sst s0  }
0x9: {  	[smem:$0x3FAB] =	sst s1  }
0xa: {  	[smem:$0x3FAC] =	sst s2  }
0xb: {  	[smem:$0x3FAD] =	sst s3  }
0xc: {  	[smem:$0x3FAE] =	sst s4  }
0xd: {  	[smem:$0x3FAF] =	sst s5  }
0xe: {  	[smem:$0x3FB0] =	sst s6  }
0xf: {  	[smem:$0x3FB1] =	sst s7  }
0x10: {  	[smem:$0x3FB2] =	sst s8  }
0x11: {  	[smem:$0x3FB3] =	sst s9;
	s0 =	simm.s32 @!p0 $0x0  }
0x12: {  	s1 =	sld [smem:$0x3F99];
	s0 =	simm.s32 @p0 $0x1  }
0x13: {  	[smem:$0x3FB4] =	sst s0;
	s0 =	simm.s32 @!p1 $0x0  }
0x14: {  	s2 =	sld [smem:$0x3F98];
	s0 =	simm.s32 @p1 $0x1  }
0x15: {  	[smem:$0x3FB5] =	sst s0;
	s0 =	simm.s32 @!p2 $0x0  }
0x16: {  	s3 =	sld [smem:$0x3FDB];
	s0 =	simm.s32 @p2 $0x1  }
0x17: {  	s4 =	simm.s32 $0x1BF5;
	[smem:$0x3FB7] =	sst s0  }
0x18: {  	s0 =	sld [smem:$0x3F9A];
	_ =	swait.ge [sflag:s4], $0x0  }
0x19: {  	s7 =	sld [smem:$0x3F9B]  }
0x1a: {  	s8 =	sadd.s32 $0xFFFFE003, lr  }
0x1b: {  	s9 =	sadd.s32 $0xFFFFFEF7, lr;
	s5 =	simm.s32 $0xFFFFFFFF;
	p2 =	slt.u32 s8, $0xFFFFF086  }
0x1c: {  	p1 =	slt.u32 s9, $0xF7A;
	s5 =	simm.s32 @!p2 $0x0  }
0x1d: {  	s5 =	simm.s32 @p1 $0x1;
	p0 =	seq.s32 s7, s2  }
0x1e: {  	s7 =	smul.u32 @!p0 $0xF7A, s2;
	p2 =	seq.s32 @!p0 s5, $0x0  }
0x1f: {  	s9 =	smul.u32 $0xF7A, s1;
	s8 =	simm.s32 @!p0 $0x1BF5;
	p2 =	por !p2, p0  }
0x20: {  	[sflag:s8] =	ssyncset.s32 @!p0 $0xFFFFF086;
	s6 =	sadd.s32 @!p0 s3, s7;
	s7 =	simm.s32 @!p0 $0x108  }
0x21: {  	s3 =	sadd.s32 s3, s9;
	s6 =	sadd.s32 @!p0 $0x88, s6;
	s7 =	simm.s32 @p2 $0x1082  }
0x22: {  	[simem:s7], [sflag:s8] =	dma.local @!p0 [hbm:s6], $0xF7A  }
0x23: {  	s9 =	sor.u32 $0xD0000000, s2;
	s6 =	simm.s32 $0x108;
	_ =	swait.ge @!p0 [sflag:s8], $0x0  }
0x24: {  	s3 =	sadd.s32 $0x88, s3;
	s6 =	simm.s32 @!p1 $0x1082;
	[sflag:s4] =	ssyncset.s32 $0xFFFFF086  }
0x25: {  	[simem:s6], [sflag:s4] =	dma.local [hbm:s3], $0xF7A  }
0x26: {  	[smem:$0x3F9B] =	sst s1;
	(tag) =	ssettag s2;
	_ =	strace s9  }
0x27: {  	s1 =	sld [smem:$0x3FAB]  }
0x28: {  	s2 =	sld [smem:$0x3FAC]  }
0x29: {  	s4 =	sld [smem:$0x3FAE]  }
0x2a: {  	p0 =	seq.s32 s5, $0x0;
	s5 =	sld [smem:$0x3FAF]  }
0x2b: {  	s6 =	sld [smem:$0x3FB0]  }
0x2c: {  	s7 =	sld [smem:$0x3FB1]  }
0x2d: {  	s3 =	simm.s32 $0x108;
	s8 =	sld [smem:$0x3FB2]  }
0x2e: {  	s3 =	simm.s32 @!p0 $0x1082;
	s9 =	sld [smem:$0x3FB3]  }
0x2f: {  	lr =	sadd.s32 s0, s3;
	s0 =	sld [smem:$0x3FAA]  }
0x30: {  	s3 =	sld [smem:$0x3FAD]  }
0x31: {  	[smem:$0x3FB6] =	sst s10  }
0x32: {  	s10 =	sld [smem:$0x3FB4];
	_ =	sdelay $0x3  }
0x33: {  	p0 =	seq.s32 s10, $0x1;
	s10 =	sld [smem:$0x3FB6];
	_ =	sdelay $0x3  }
0x34: {  	[smem:$0x3FB6] =	sst s10  }
0x35: {  	s10 =	sld [smem:$0x3FB5];
	_ =	sdelay $0x3  }
0x36: {  	p1 =	seq.s32 s10, $0x1;
	s10 =	sld [smem:$0x3FB6];
	_ =	sdelay $0x3  }
0x37: {  	[smem:$0x3FB6] =	sst s10  }
0x38: {  	s10 =	sld [smem:$0x3FB7]  }
0x39: {  	_ = 	snop;
	(pc) =	sbr.ind lr, $3  }
0x3a: {  	_ = 	snop  }
0x3b: {  	_ = 	snop  }
0x3c: {  	p2 =	seq.s32 s10, $0x1;
	s10 =	sld [smem:$0x3FB6]  }
0x3d: {  	_ =	shalt  }
0x3e: {  	_ =	shalt  }
0x3f: {  	_ =	shalt  }
0x40: {  	_ =	shalt  }
0x41: {  	_ =	shalt  }
0x42: {  	_ =	shalt  }
0x43: {  	_ =	shalt  }
0x44: {  	_ =	shalt  }
0x45: {  	_ =	shalt  }
0x46: {  	_ =	shalt  }
0x47: {  	_ =	shalt  }
0x48: {  	_ =	shalt  }
0x49: {  	_ =	shalt  }
0x4a: {  	_ =	shalt  }
0x4b: {  	_ =	shalt  }
0x4c: {  	_ =	shalt  }
0x4d: {  	_ =	shalt  }
0x4e: {  	_ =	shalt  }
0x4f: {  	_ =	shalt  }
0x50: {  	_ =	shalt  }
0x51: {  	_ =	shalt  }
0x52: {  	_ =	shalt  }
0x53: {  	_ =	shalt  }
0x54: {  	_ =	shalt  }
0x55: {  	_ =	shalt  }
0x56: {  	_ =	shalt  }
0x57: {  	_ =	shalt  }
0x58: {  	_ =	shalt  }
0x59: {  	_ =	shalt  }
0x5a: {  	_ =	shalt  }
0x5b: {  	_ =	shalt  }
0x5c: {  	_ =	shalt  }
0x5d: {  	_ =	shalt  }
0x5e: {  	_ =	shalt  }
0x5f: {  	_ =	shalt  }
0x60: {  	_ =	shalt  }
0x61: {  	_ =	shalt  }
0x62: {  	_ =	shalt  }
0x63: {  	_ =	shalt  }
0x64: {  	_ =	shalt  }
0x65: {  	_ =	shalt  }
0x66: {  	_ =	shalt  }
0x67: {  	_ =	shalt  }
0x68: {  	_ =	shalt  }
0x69: {  	_ =	shalt  }
0x6a: {  	_ =	shalt  }
0x6b: {  	_ =	shalt  }
0x6c: {  	_ =	shalt  }
0x6d: {  	_ =	shalt  }
0x6e: {  	_ =	shalt  }
0x6f: {  	_ =	shalt  }
0x70: {  	_ =	shalt  }
0x71: {  	_ =	shalt  }
0x72: {  	_ =	shalt  }
0x73: {  	_ =	shalt  }
0x74: {  	_ =	shalt  }
0x75: {  	_ =	shalt  }
0x76: {  	_ =	shalt  }
0x77: {  	_ =	shalt  }
0x78: {  	_ =	shalt  }
0x79: {  	_ =	shalt  }
0x7a: {  	_ =	shalt  }
0x7b: {  	_ =	shalt  }
0x7c: {  	_ =	shalt  }
0x7d: {  	_ =	shalt  }
0x7e: {  	_ =	shalt  }
0x7f: {  	_ =	shalt  }
0x80: {  	_ =	shalt  }
0x81: {  	_ =	shalt  }
0x82: {  	_ =	shalt  }
0x83: {  	_ =	shalt  }
0x84: {  	_ =	shalt  }
0x85: {  	_ =	shalt  }
0x86: {  	_ =	shalt  }
0x87: {  	_ =	shalt  }
.Lfunc_end0:
.L_simem_size_0:
called_computation.2_lowered:
.L_overlay_start_0:
0x88: {  	s2 =	sld [smem:$0x3FD9]  }
0x89: {  	s3 =	sld [smem:$0x3FFE];
	_ =	sdelay $0x1  }
0x8a: {  	s1 =	srdreg.scid  }
0x8b: {  	s0 =	sand.u32 $0x1, s1  }
0x8c: {  	s17 =	sshll.u32 s0, $0xA;
	s2 =	sadd.s32 s3, s2  }
0x8d: {  	s2 =	sadd.s32 s2, s17  }
0x8e: {  	[smem:$0x3FC2] =	sst s2  }
0x8f: {  	_ = 	snop  }
0x90: {  	s2 =	sld [smem:$0x3FD0];
	(tm) =	ssettm $0x1  }
0x91: {  	s18 =	sld [smem:$0x3FFB];
	_ =	sdelay $0x3  }
0x92: {  	_ =	strace s18  }
0x93: {  	s3 =	sld [smem:$0x3FFC];
	_ =	sdelay $0x3  }
0x94: {  	_ =	strace s3  }
0x95: {  	s3 =	sld [smem:$0x3FFD];
	_ =	sdelay $0x3  }
0x96: {  	_ =	strace s3  }
0x97: {  	_ =	strace $0x8FFFFFFF  }
0x98: {  	s19 =	sld [smem:$0x3FDB];
	_ =	sdelay $0x1  }
0x99: {  	s4 =	simm.s32 $_scs_section_size  }
0x9a: {  	s5 =	simm.s32 $_size__tile_overlayer_lowered;
	s6 =	simm.s32 $_tile_overlayer_lowered  }
0x9b: {  	s22 =	simm.s32 $0x1BFF;
	s21 =	sshll.u32 s6, $0x1;
	s3 =	sadd.s32 s4, s19  }
0x9c: {  	s7 =	simm.s32 $0x0;
	s20 =	sshll.u32 s5, $0x1;
	s5 =	sadd.s32 s21, s3  }
0x9d: {  	[timem:s7], [sflag:s22] =	dma.local [hbm:s5], s20  }
0x9e: {  	_ =	swait.ge [sflag:s22], s20  }
0x9f: {  	s4 =	ssub.s32 $0x0, s20;
	[sflag:s22] =	ssyncset.done $0x0  }
0xa0: {  	[sflag:s22] =	ssyncadd.s32 s4;
	_ =	sdelay $0x1  }
0xa1: {  	s23 =	simm.s32 $0x1B8B  }
0xa2: {  	_ =	swait.ge [sflag:s23], $0x1  }
0xa3: {  	[sflag:s23] =	ssyncset.done $0x0  }
0xa4: {  	s25 =	simm.s32 $0x1B8E;
	s24 =	sld [smem:$0x3FFE];
	[sflag:s23] =	ssyncadd.s32 $0xFFFFFFFF  }
0xa5: {  	s26 =	simm.s32 $execute0_lowered;
	[smem:$0x3FD2] =	sst s25  }
0xa6: {  	s5 =	sshll.u32 s26, $0x1;
	_ =	strace $0x8000004C;
	[dreg:$0x1] =	wrdreg $0xFFFFFFFF  }
0xa7: {  	s28 =	simm.s32 $_size_execute0_lowered;
	s3 =	sadd.s32 s3, s5;
	[dreg:$0x0] =	wrdreg $0x0  }
0xa8: {  	s5 =	sshll.u32 s28, $0x1;
	[dreg:$0x2] =	wrdreg s3  }
0xa9: {  	[dreg:$0x3] =	wrdreg s5  }
0xaa: {  	[dreg:$0x4] =	wrdreg $0xC0  }
0xab: {  	_ =	task [dreg:s7], $0x5FFFF  }
0xac: {  	[dreg:$0x1] =	wrdreg $0xFFFFFFFF  }
0xad: {  	[dreg:$0x0] =	wrdreg $0x60  }
0xae: {  	[dreg:$0x2] =	wrdreg s2  }
0xaf: {  	[dreg:$0x3] =	wrdreg s24  }
0xb0: {  	[dreg:$0x4] =	wrdreg $0x90000  }
0xb1: {  	[dreg:$0x5] =	wrdreg $0x9  }
0xb2: {  	_ =	task.clear_ibuf [dreg:s7], $0x6FFFF;
	_ =	strace $0x9000004C  }
0xb3: {  	s29 =	simm.s32 $0x9;
	_ =	strace $0x8000004E  }
0xb4: {  	_ =	swait.ge [sflag:s29], $0x1  }
0xb5: {  	[sflag:s29] =	ssyncadd.s32 $0xFFFFFFFF  }
0xb6: {  	_ =	strace $0x9000004E  }
0xb7: {  	_ =	sfence  }
0xb8: {  	s30 =	sld [smem:$0x0];
	_ =	sdelay $0x2  }
0xb9: {  	s31 =	sshll.u32 s1, $0xD;
	s1 =	sshrl.u32 s1, $0x2  }
0xba: {  	s3 =	sand.u32 $0x4000, s31;
	s1 =	sadd.s32 s1, s30  }
0xbb: {  	s0 =	sor.u32 s3, s0;
	s1 =	sshll.u32 s1, $0x11  }
0xbc: {  	s0 =	sor.u32 s1, s0  }
0xbd: {  	s0 =	sadd.s32 $0x8F2B, s0  }
0xbe: {  	[sflag:s0] =	ssyncadd.remote.s32 $0x1  }
0xbf: {  	_ =	sfence.sel $0xFFFF  }
0xc0: {  	[dreg:$0x0] =	wrdreg $0xFFFFFFFF;
	(pc) =	sbr.abs _section_cstart, $3  }
0xc1: {  	[dreg:$0x1] =	wrdreg $0xFFFFFFFF  }
0xc2: {  	_ =	task.clear_ibuf [dreg:s7], $0x2FFFF;
	_ =	strace $0x9FFFFFFF  }
0xc3: {  	(tm) =	ssettm $0x7FFFFFFF  }
tec
execute0_lowered:
.L_overlay_start_1:
0x0: {  	(tag) =	ssettag $0x1  }
0x1: {  	s1 =	rddreg [dreg:$0x0]  }
0x2: {  	s0 =	srdreg.scid;
	s5 =	rddreg [dreg:$0x1]  }
0x3: {  	s3 =	rddreg [dreg:$0x2];
	s4 =	simm.s32 $0x0;
	s14 =	simm.s32 $0x80  }
0x4: {  	s15 =	simm.s32 $0x5000;
	s16 =	simm.s32 $0x1;
	s17 =	simm.s32 $0x7000  }
0x5: {  	s18 =	simm.s32 $0x2;
	s19 =	simm.s32 $0x3;
	s20 =	simm.s32 $0x4  }
0x6: {  	s21 =	simm.s32 $0x4F00;
	s22 =	simm.s32 $0x2780;
	s23 =	simm.s32 $0x4F80  }
0x7: {  	s24 =	simm.s32 $0x0;
	s7 =	sand.u32 $0x1, s0;
	s0 =	stileid.u32  }
0x8: {  	[smem:$0x7FF] =	sst s4;
	s2 =	sshll.u32 s7, $0x4;
	s8 =	smul.u32 $0x9E00, s0  }
0x9: {  	s9 =	ssub.s32 $0x2, s7;
	p0 =	seq.s32 s7, $0x1;
	s12 =	sshll.u32 s0, $0x6  }
0xa: {  	s6 =	sor.u32 s0, s2;
	s2 =	rddreg [dreg:$0x3];
	_ =	strace $0x8000004D  }
0xb: {  	s11 =	sshrl.u32 s9, $0x1;
	s12 =	sor.u32 $0x1C05, s12;
	s6 =	smul.u32 $0x500, s6  }
0xc: {  	s10 =	sshrl.u32 s8, $0x3;
	s9 =	ssub.s32 s9, s11;
	s11 =	simm.s32 $0x2A200  }
0xd: {  	s13 =	sadd.s32 s8, s3;
	s10 =	sadd.s32 s10, s5;
	s11 =	simm.s32 @!p0 $0x3DE00  }
0xe: {  	s8 =	smax.u32 s9, $0x1;
	s13 =	sshrl.u32 s13, $0x3;
	s6 =	sadd.s32 s6, s5  }
0xf: {  	s7 =	sadd.s32 $0x16600, s10;
	s9 =	sadd.s32 s11, s10;
	s10 =	simm.s32 $0x5  }
0x10: {  	s11 =	simm.s32 $0x2800;
	s5 =	sadd.s32 $0xC600, s6;
	s6 =	sadd.s32 $0x2600, s6  }
.LBB2_1:
0x11: {  	[tilespmem:s4], [sflag:$0x5] =	stream.linear.gather [hbm4b:s5+s4], $0x2800, $0x38;
	[tilespmem:$0x12E00] =	vst v63  }
0x12: {  	_ =	swait.ge [sflag:s10], $0x2800  }
0x13: {  	[sflag:s10] =	ssyncset.done $0x0  }
0x14: {  	[sflag:s10] =	ssyncadd.s32 $0xFFFFD800  }
0x15: {  	[tilespmem:s11], [sflag:$0x5] =	stream.linear.gather [hbm4b:s6+s4], $0x2800, $0x38;
	[tilespmem:$0x12E00] =	vst v63  }
0x16: {  	_ =	swait.ge [sflag:s10], $0x2800  }
0x17: {  	[sflag:s10] =	ssyncset.done $0x0  }
0x18: {  	[sflag:s10] =	ssyncadd.s32 $0xFFFFD800  }
0x19: {  	[spmem:s13], [sflag:s12] =	dma.local [hbm:s7], $0x13C0  }
0x1a: {  	_ =	swait.ge [sflag:s10], $0x13C0  }
0x1b: {  	[sflag:s10] =	ssyncset.done $0x0  }
0x1c: {  	[sflag:s10] =	ssyncadd.s32 $0xFFFFEC40  }
0x1d: {  	[bflag:$0x0] =	sbarrier.arrive $0xFFFF  }
0x1e: {  	[tilespmem:s15], [sflag:$0x1] =	stream.indirect.gather [hbm4b:s1+s14], $0x40, s4, s14, $0xb8;
	[tilespmem:$0x12E00] =	vst v63  }
0x1f: {  	_ =	swait.ge [sflag:s16], $0x2000  }
0x20: {  	[sflag:s16] =	ssyncset.done $0x0  }
0x21: {  	s25 =	simm.s32 $0x2800;
	[sflag:s16] =	ssyncadd.s32 $0xFFFFE000  }
0x22: {  	[spmem:s3] =	stream.indirect.scatter.add.f32 [tilespmem:s15], [sflag:$0x3], $0x40, s25, s14, $0xb8;
	[tilespmem:$0x12E00] =	vst v63  }
0x23: {  	s29 =	simm.s32 $0x80  }
0x24: {  	[tilespmem:s17], [sflag:$0x2] =	stream.indirect.gather [hbm4b:s1+s14], $0x40, s29, s14, $0xb8;
	[tilespmem:$0x12E00] =	vst v63  }
0x25: {  	_ =	swait.ge [sflag:s18], $0x2000  }
0x26: {  	[sflag:s18] =	ssyncset.done $0x0  }
0x27: {  	s30 =	simm.s32 $0x2880;
	[sflag:s18] =	ssyncadd.s32 $0xFFFFE000  }
0x28: {  	[spmem:s3] =	stream.indirect.scatter.add.f32 [tilespmem:s17], [sflag:$0x4], $0x40, s30, s14, $0xb8;
	[tilespmem:$0x12E00] =	vst v63  }
0x29: {  	_ =	swait.ge [sflag:s19], $0x2000  }
0x2a: {  	[sflag:s19] =	ssyncset.done $0x0  }
0x2b: {  	s31 =	simm.s32 $0x100;
	[sflag:s19] =	ssyncadd.s32 $0xFFFFE000  }
0x2c: {  	[tilespmem:s15], [sflag:$0x1] =	stream.indirect.gather [hbm4b:s1+s14], $0x40, s31, s14, $0xb8;
	[tilespmem:$0x12E00] =	vst v63  }
0x2d: {  	_ =	swait.ge [sflag:s20], $0x2000  }
0x2e: {  	s25 =	simm.s32 $0x400;
	[sflag:s20] =	ssyncset.done $0x0  }
.LBB2_2:
0x2f: {  	p0 =	sne.s32 s25, $0x9800  }
0x30: {  	[sflag:s20] =	ssyncadd.s32 $0xFFFFE000;
	s26 =	smov.u32 s25;
	s25 =	sadd.s32 $0x400, s25  }
0x31: {  	_ =	swait.ge [sflag:s16], $0x2000  }
0x32: {  	s26 =	sshra.s32 s26, $0x2;
	[sflag:s16] =	ssyncset.done $0x0  }
0x33: {  	s28 =	sadd.s32 $0x2800, s26;
	[sflag:s16] =	ssyncadd.s32 $0xFFFFE000  }
0x34: {  	[spmem:s3] =	stream.indirect.scatter.add.f32 [tilespmem:s15], [sflag:$0x3], $0x40, s28, s14, $0xb8;
	[tilespmem:$0x12E00] =	vst v63  }
0x35: {  	s28 =	sadd.s32 $0x80, s26  }
0x36: {  	[tilespmem:s17], [sflag:$0x2] =	stream.indirect.gather [hbm4b:s1+s14], $0x40, s28, s14, $0xb8;
	[tilespmem:$0x12E00] =	vst v63  }
0x37: {  	_ =	swait.ge [sflag:s18], $0x2000  }
0x38: {  	[sflag:s18] =	ssyncset.done $0x0  }
0x39: {  	s28 =	sadd.s32 $0x2880, s26;
	[sflag:s18] =	ssyncadd.s32 $0xFFFFE000  }
0x3a: {  	[spmem:s3] =	stream.indirect.scatter.add.f32 [tilespmem:s17], [sflag:$0x4], $0x40, s28, s14, $0xb8;
	[tilespmem:$0x12E00] =	vst v63  }
0x3b: {  	_ =	swait.ge [sflag:s19], $0x2000  }
.Ltmp0:
0x3c: {  	[sflag:s19] =	ssyncset.done $0x0;
	(pc) =	sbr.rel @p0 .LBB2_2-.Ltmp0, $4  }
0x3d: {  	s26 =	sadd.s32 $0x100, s26;
	[sflag:s19] =	ssyncadd.s32 $0xFFFFE000  }
0x3e: {  	[tilespmem:s15], [sflag:$0x1] =	stream.indirect.gather [hbm4b:s1+s14], $0x40, s26, s14, $0xb8;
	[tilespmem:$0x12E00] =	vst v63  }
0x3f: {  	_ =	swait.ge [sflag:s20], $0x2000  }
0x40: {  	[sflag:s20] =	ssyncset.done $0x0  }
0x41: {  	[sflag:s20] =	ssyncadd.s32 $0xFFFFE000  }
0x42: {  	_ =	swait.ge [sflag:s16], $0x2000  }
0x43: {  	[sflag:s16] =	ssyncset.done $0x0  }
0x44: {  	[sflag:s16] =	ssyncadd.s32 $0xFFFFE000  }
0x45: {  	[spmem:s3] =	stream.indirect.scatter.add.f32 [tilespmem:s15], [sflag:$0x3], $0x40, s21, s14, $0xb8;
	[tilespmem:$0x12E00] =	vst v63  }
0x46: {  	_ = 	snop  }
0x47: {  	[tilespmem:s17], [sflag:$0x2] =	stream.indirect.gather [hbm4b:s1+s14], $0x40, s22, s14, $0xb8;
	[tilespmem:$0x12E00] =	vst v63  }
0x48: {  	_ =	swait.ge [sflag:s18], $0x2000  }
0x49: {  	[sflag:s18] =	ssyncset.done $0x0  }
0x4a: {  	[sflag:s18] =	ssyncadd.s32 $0xFFFFE000  }
0x4b: {  	[spmem:s3] =	stream.indirect.scatter.add.f32 [tilespmem:s17], [sflag:$0x4], $0x40, s23, s14, $0xb8;
	[tilespmem:$0x12E00] =	vst v63  }
0x4c: {  	_ =	swait.ge [sflag:s19], $0x2000  }
0x4d: {  	[sflag:s19] =	ssyncset.done $0x0  }
0x4e: {  	[sflag:s19] =	ssyncadd.s32 $0xFFFFE000  }
0x4f: {  	_ =	swait.ge [sflag:s20], $0x2000  }
0x50: {  	s24 =	sadd.s32 $0x1, s24;
	[sflag:s20] =	ssyncset.done $0x0  }
0x51: {  	p0 =	sne.s32 s24, s8;
	[sflag:s20] =	ssyncadd.s32 $0xFFFFE000  }
.Ltmp1:
0x52: {  	[bflag:$0x0] =	sbarrier.arrive $0xFFFF;
	(pc) =	sbr.rel @p0 .LBB2_1-.Ltmp1, $4  }
0x53: {  	[hbm:s9], [sflag:s12] =	dma.local [spmem:s13], $0x13C0  }
0x54: {  	_ =	swait.ge [sflag:s10], $0x13C0  }
0x55: {  	[sflag:s10] =	ssyncset.done $0x0  }
0x56: {  	[sflag:s10] =	ssyncadd.s32 $0xFFFFEC40  }
0x57: {  	_ =	sfence.sel $0x180000  }
0x58: {  	[bflag:$0x0] =	sbarrier.arrive $0xFFFF  }
0x59: {  	p0 =	sne.s32 s0, $0x0;
	_ =	strace $0x9000004D  }
0x5a: {  	s0 =	sadd.s32 @!p0 $0x100000, s2;
	[bflag:$0x2] =	sbarrier.arrive $0xFFFF  }
0x5b: {  	[sflag:s0] =	ssyncadd.tile.s32 @!p0 $0x1;
	_ =	shalt  }
.Lfunc_end2:
_tile_overlayer_lowered:
.L_overlay_start_2:
0x5c: {  	(tag) =	ssettag $0x2  }
0x5d: {  	s0 =	rddreg [dreg:$0x0];
	s2 =	stileid.u32  }
0x5e: {  	s1 =	rddreg [dreg:$0x1];
	p0 =	sne.s32 s2, $0x0  }
0x5f: {  	s3 =	rddreg [dreg:$0x2];
	[bflag:$0x3] =	sbarrier.arrive $0xFFFF;
	s2 =	simm.s32 @!p0 $0x1C05  }
0x60: {  	[timem:s3], [sflag:s2] =	dma.local @!p0 [hbm:s0], s1  }
0x61: {  	s0 =	simm.s32 @!p0 $0x5  }
0x62: {  	_ =	swait.ge @!p0 [sflag:s0], s1  }
0x63: {  	s1 =	ssub.s32 @!p0 $0x0, s1;
	[sflag:s0] =	ssyncset.done @!p0 $0x0  }
0x64: {  	[sflag:s0] =	ssyncadd.s32 @!p0 s1  }
0x65: {  	[bflag:$0x3] =	sbarrier.arrive $0xFFFF  }
0x66: {  	_ =	shalt  }

// kernel: kernel.8.cloned.1.call-start
scs
__scs_entry_jumppad:
0x0: {  	(pc) =	sbr.rel $0x88, $3  }
0x1: {  	(tag) =	ssettag $0x0;
	lr =	simm.s32 $0x1  }
0x2: {  	[smem:$0x3F9B] =	sst lr;
	_ =	strace $0xD0000000  }
0x3: {  	_ = 	snop  }
0x4: {  	_ = 	snop  }
0x5: {  	_ = 	snop  }
0x6: {  	_ = 	snop  }
0x7: {  	_ = 	snop  }
__scs_overlays_trampoline_lowered:
0x8: {  	[smem:$0x3FAA] =	sst s0  }
0x9: {  	[smem:$0x3FAB] =	sst s1  }
0xa: {  	[smem:$0x3FAC] =	sst s2  }
0xb: {  	[smem:$0x3FAD] =	sst s3  }
0xc: {  	[smem:$0x3FAE] =	sst s4  }
0xd: {  	[smem:$0x3FAF] =	sst s5  }
0xe: {  	[smem:$0x3FB0] =	sst s6  }
0xf: {  	[smem:$0x3FB1] =	sst s7  }
0x10: {  	[smem:$0x3FB2] =	sst s8  }
0x11: {  	[smem:$0x3FB3] =	sst s9;
	s0 =	simm.s32 @!p0 $0x0  }
0x12: {  	s1 =	sld [smem:$0x3F99];
	s0 =	simm.s32 @p0 $0x1  }
0x13: {  	[smem:$0x3FB4] =	sst s0;
	s0 =	simm.s32 @!p1 $0x0  }
0x14: {  	s2 =	sld [smem:$0x3F98];
	s0 =	simm.s32 @p1 $0x1  }
0x15: {  	[smem:$0x3FB5] =	sst s0;
	s0 =	simm.s32 @!p2 $0x0  }
0x16: {  	s3 =	sld [smem:$0x3FDB];
	s0 =	simm.s32 @p2 $0x1  }
0x17: {  	s4 =	simm.s32 $0x1BF5;
	[smem:$0x3FB7] =	sst s0  }
0x18: {  	s0 =	sld [smem:$0x3F9A];
	_ =	swait.ge [sflag:s4], $0x0  }
0x19: {  	s7 =	sld [smem:$0x3F9B]  }
0x1a: {  	s8 =	sadd.s32 $0xFFFFE003, lr  }
0x1b: {  	s9 =	sadd.s32 $0xFFFFFEF7, lr;
	s5 =	simm.s32 $0xFFFFFFFF;
	p2 =	slt.u32 s8, $0xFFFFF086  }
0x1c: {  	p1 =	slt.u32 s9, $0xF7A;
	s5 =	simm.s32 @!p2 $0x0  }
0x1d: {  	s5 =	simm.s32 @p1 $0x1;
	p0 =	seq.s32 s7, s2  }
0x1e: {  	s7 =	smul.u32 @!p0 $0xF7A, s2;
	p2 =	seq.s32 @!p0 s5, $0x0  }
0x1f: {  	s9 =	smul.u32 $0xF7A, s1;
	s8 =	simm.s32 @!p0 $0x1BF5;
	p2 =	por !p2, p0  }
0x20: {  	[sflag:s8] =	ssyncset.s32 @!p0 $0xFFFFF086;
	s6 =	sadd.s32 @!p0 s3, s7;
	s7 =	simm.s32 @!p0 $0x108  }
0x21: {  	s3 =	sadd.s32 s3, s9;
	s6 =	sadd.s32 @!p0 $0x88, s6;
	s7 =	simm.s32 @p2 $0x1082  }
0x22: {  	[simem:s7], [sflag:s8] =	dma.local @!p0 [hbm:s6], $0xF7A  }
0x23: {  	s9 =	sor.u32 $0xD0000000, s2;
	s6 =	simm.s32 $0x108;
	_ =	swait.ge @!p0 [sflag:s8], $0x0  }
0x24: {  	s3 =	sadd.s32 $0x88, s3;
	s6 =	simm.s32 @!p1 $0x1082;
	[sflag:s4] =	ssyncset.s32 $0xFFFFF086  }
0x25: {  	[simem:s6], [sflag:s4] =	dma.local [hbm:s3], $0xF7A  }
0x26: {  	[smem:$0x3F9B] =	sst s1;
	(tag) =	ssettag s2;
	_ =	strace s9  }
0x27: {  	s1 =	sld [smem:$0x3FAB]  }
0x28: {  	s2 =	sld [smem:$0x3FAC]  }
0x29: {  	s4 =	sld [smem:$0x3FAE]  }
0x2a: {  	p0 =	seq.s32 s5, $0x0;
	s5 =	sld [smem:$0x3FAF]  }
0x2b: {  	s6 =	sld [smem:$0x3FB0]  }
0x2c: {  	s7 =	sld [smem:$0x3FB1]  }
0x2d: {  	s3 =	simm.s32 $0x108;
	s8 =	sld [smem:$0x3FB2]  }
0x2e: {  	s3 =	simm.s32 @!p0 $0x1082;
	s9 =	sld [smem:$0x3FB3]  }
0x2f: {  	lr =	sadd.s32 s0, s3;
	s0 =	sld [smem:$0x3FAA]  }
0x30: {  	s3 =	sld [smem:$0x3FAD]  }
0x31: {  	[smem:$0x3FB6] =	sst s10  }
0x32: {  	s10 =	sld [smem:$0x3FB4];
	_ =	sdelay $0x3  }
0x33: {  	p0 =	seq.s32 s10, $0x1;
	s10 =	sld [smem:$0x3FB6];
	_ =	sdelay $0x3  }
0x34: {  	[smem:$0x3FB6] =	sst s10  }
0x35: {  	s10 =	sld [smem:$0x3FB5];
	_ =	sdelay $0x3  }
0x36: {  	p1 =	seq.s32 s10, $0x1;
	s10 =	sld [smem:$0x3FB6];
	_ =	sdelay $0x3  }
0x37: {  	[smem:$0x3FB6] =	sst s10  }
0x38: {  	s10 =	sld [smem:$0x3FB7]  }
0x39: {  	_ = 	snop;
	(pc) =	sbr.ind lr, $3  }
0x3a: {  	_ = 	snop  }
0x3b: {  	_ = 	snop  }
0x3c: {  	p2 =	seq.s32 s10, $0x1;
	s10 =	sld [smem:$0x3FB6]  }
0x3d: {  	_ =	shalt  }
0x3e: {  	_ =	shalt  }
0x3f: {  	_ =	shalt  }
0x40: {  	_ =	shalt  }
0x41: {  	_ =	shalt  }
0x42: {  	_ =	shalt  }
0x43: {  	_ =	shalt  }
0x44: {  	_ =	shalt  }
0x45: {  	_ =	shalt  }
0x46: {  	_ =	shalt  }
0x47: {  	_ =	shalt  }
0x48: {  	_ =	shalt  }
0x49: {  	_ =	shalt  }
0x4a: {  	_ =	shalt  }
0x4b: {  	_ =	shalt  }
0x4c: {  	_ =	shalt  }
0x4d: {  	_ =	shalt  }
0x4e: {  	_ =	shalt  }
0x4f: {  	_ =	shalt  }
0x50: {  	_ =	shalt  }
0x51: {  	_ =	shalt  }
0x52: {  	_ =	shalt  }
0x53: {  	_ =	shalt  }
0x54: {  	_ =	shalt  }
0x55: {  	_ =	shalt  }
0x56: {  	_ =	shalt  }
0x57: {  	_ =	shalt  }
0x58: {  	_ =	shalt  }
0x59: {  	_ =	shalt  }
0x5a: {  	_ =	shalt  }
0x5b: {  	_ =	shalt  }
0x5c: {  	_ =	shalt  }
0x5d: {  	_ =	shalt  }
0x5e: {  	_ =	shalt  }
0x5f: {  	_ =	shalt  }
0x60: {  	_ =	shalt  }
0x61: {  	_ =	shalt  }
0x62: {  	_ =	shalt  }
0x63: {  	_ =	shalt  }
0x64: {  	_ =	shalt  }
0x65: {  	_ =	shalt  }
0x66: {  	_ =	shalt  }
0x67: {  	_ =	shalt  }
0x68: {  	_ =	shalt  }
0x69: {  	_ =	shalt  }
0x6a: {  	_ =	shalt  }
0x6b: {  	_ =	shalt  }
0x6c: {  	_ =	shalt  }
0x6d: {  	_ =	shalt  }
0x6e: {  	_ =	shalt  }
0x6f: {  	_ =	shalt  }
0x70: {  	_ =	shalt  }
0x71: {  	_ =	shalt  }
0x72: {  	_ =	shalt  }
0x73: {  	_ =	shalt  }
0x74: {  	_ =	shalt  }
0x75: {  	_ =	shalt  }
0x76: {  	_ =	shalt  }
0x77: {  	_ =	shalt  }
0x78: {  	_ =	shalt  }
0x79: {  	_ =	shalt  }
0x7a: {  	_ =	shalt  }
0x7b: {  	_ =	shalt  }
0x7c: {  	_ =	shalt  }
0x7d: {  	_ =	shalt  }
0x7e: {  	_ =	shalt  }
0x7f: {  	_ =	shalt  }
0x80: {  	_ =	shalt  }
0x81: {  	_ =	shalt  }
0x82: {  	_ =	shalt  }
0x83: {  	_ =	shalt  }
0x84: {  	_ =	shalt  }
0x85: {  	_ =	shalt  }
0x86: {  	_ =	shalt  }
0x87: {  	_ =	shalt  }
.Lfunc_end0:
.L_simem_size_0:
called_computation_lowered:
.L_overlay_start_0:
0x88: {  	s2 =	sld [smem:$0x3FD9]  }
0x89: {  	s3 =	sld [smem:$0x3FFE];
	_ =	sdelay $0x1  }
0x8a: {  	s1 =	srdreg.scid  }
0x8b: {  	s0 =	sand.u32 $0x1, s1  }
0x8c: {  	s17 =	sshll.u32 s0, $0xA;
	s2 =	sadd.s32 s3, s2  }
0x8d: {  	s2 =	sadd.s32 s2, s17  }
0x8e: {  	[smem:$0x3FC2] =	sst s2  }
0x8f: {  	_ = 	snop  }
0x90: {  	s2 =	sld [smem:$0x3FD0];
	(tm) =	ssettm $0x1  }
0x91: {  	s18 =	sld [smem:$0x3FFB];
	_ =	sdelay $0x3  }
0x92: {  	_ =	strace s18  }
0x93: {  	s3 =	sld [smem:$0x3FFC];
	_ =	sdelay $0x3  }
0x94: {  	_ =	strace s3  }
0x95: {  	s3 =	sld [smem:$0x3FFD];
	_ =	sdelay $0x3  }
0x96: {  	_ =	strace s3  }
0x97: {  	_ =	strace $0x8FFFFFFF  }
0x98: {  	s19 =	sld [smem:$0x3FDB];
	_ =	sdelay $0x1  }
0x99: {  	s4 =	simm.s32 $_scs_section_size  }
0x9a: {  	s5 =	simm.s32 $_size__tile_overlayer_lowered;
	s6 =	simm.s32 $_tile_overlayer_lowered  }
0x9b: {  	s22 =	simm.s32 $0x1BFF;
	s21 =	sshll.u32 s6, $0x1;
	s3 =	sadd.s32 s4, s19  }
0x9c: {  	s7 =	simm.s32 $0x0;
	s20 =	sshll.u32 s5, $0x1;
	s5 =	sadd.s32 s21, s3  }
0x9d: {  	[timem:s7], [sflag:s22] =	dma.local [hbm:s5], s20  }
0x9e: {  	_ =	swait.ge [sflag:s22], s20  }
0x9f: {  	s4 =	ssub.s32 $0x0, s20;
	[sflag:s22] =	ssyncset.done $0x0  }
0xa0: {  	[sflag:s22] =	ssyncadd.s32 s4;
	_ =	sdelay $0x1  }
0xa1: {  	s23 =	simm.s32 $0x1B8B  }
0xa2: {  	_ =	swait.ge [sflag:s23], $0x1  }
0xa3: {  	[sflag:s23] =	ssyncset.done $0x0  }
0xa4: {  	s25 =	simm.s32 $0x1B8E;
	s24 =	sld [smem:$0x3FFE];
	[sflag:s23] =	ssyncadd.s32 $0xFFFFFFFF  }
0xa5: {  	s26 =	simm.s32 $execute0_lowered;
	[smem:$0x3FD2] =	sst s25  }
0xa6: {  	s5 =	sshll.u32 s26, $0x1;
	_ =	strace $0x80000046;
	[dreg:$0x1] =	wrdreg $0xFFFFFFFF  }
0xa7: {  	s28 =	simm.s32 $_size_execute0_lowered;
	s3 =	sadd.s32 s3, s5;
	[dreg:$0x0] =	wrdreg $0x0  }
0xa8: {  	s5 =	sshll.u32 s28, $0x1;
	[dreg:$0x2] =	wrdreg s3  }
0xa9: {  	[dreg:$0x3] =	wrdreg s5  }
0xaa: {  	[dreg:$0x4] =	wrdreg $0xC0  }
0xab: {  	_ =	task [dreg:s7], $0x5FFFF  }
0xac: {  	[dreg:$0x1] =	wrdreg $0xFFFFFFFF  }
0xad: {  	[dreg:$0x0] =	wrdreg $0x60  }
0xae: {  	[dreg:$0x2] =	wrdreg s24  }
0xaf: {  	[dreg:$0x3] =	wrdreg s2  }
0xb0: {  	[dreg:$0x4] =	wrdreg $0x58000  }
0xb1: {  	[dreg:$0x5] =	wrdreg $0x7F800  }
0xb2: {  	[dreg:$0x6] =	wrdreg $0x9  }
0xb3: {  	_ =	task.clear_ibuf [dreg:s7], $0x7FFFF;
	_ =	strace $0x90000046  }
0xb4: {  	s29 =	simm.s32 $0x9;
	_ =	strace $0x80000048  }
0xb5: {  	_ =	swait.ge [sflag:s29], $0x1  }
0xb6: {  	[sflag:s29] =	ssyncadd.s32 $0xFFFFFFFF  }
0xb7: {  	_ =	strace $0x90000048  }
0xb8: {  	_ =	sfence  }
0xb9: {  	s30 =	sld [smem:$0x0];
	_ =	sdelay $0x2  }
0xba: {  	s31 =	sshll.u32 s1, $0xD;
	s1 =	sshrl.u32 s1, $0x2  }
0xbb: {  	s3 =	sand.u32 $0x4000, s31;
	s1 =	sadd.s32 s1, s30  }
0xbc: {  	s0 =	sor.u32 s3, s0;
	s1 =	sshll.u32 s1, $0x11  }
0xbd: {  	s0 =	sor.u32 s1, s0  }
0xbe: {  	s0 =	sadd.s32 $0x8F2B, s0  }
0xbf: {  	[sflag:s0] =	ssyncadd.remote.s32 $0x1  }
0xc0: {  	_ =	sfence.sel $0xFFFF  }
0xc1: {  	[dreg:$0x0] =	wrdreg $0xFFFFFFFF;
	(pc) =	sbr.abs _section_cstart, $3  }
0xc2: {  	[dreg:$0x1] =	wrdreg $0xFFFFFFFF  }
0xc3: {  	_ =	task.clear_ibuf [dreg:s7], $0x2FFFF;
	_ =	strace $0x9FFFFFFF  }
0xc4: {  	(tm) =	ssettm $0x7FFFFFFF  }
0xc5: {  	_ =	shalt  }
tec
execute0_lowered:
.L_overlay_start_1:
0x0: {  	(tag) =	ssettag $0x1  }
0x1: {  	s6 =	rddreg [dreg:$0x0]  }
0x2: {  	s9 =	rddreg [dreg:$0x1]  }
0x3: {  	s0 =	srdreg.scid;
	s2 =	rddreg [dreg:$0x2]  }
0x4: {  	s3 =	rddreg [dreg:$0x3];
	s1 =	stileid.u32  }
0x5: {  	s4 =	simm.s32 $0x0;
	s18 =	simm.s32 $0x80;
	s19 =	simm.s32 $0x1  }
0x6: {  	s20 =	simm.s32 $0x2;
	s21 =	simm.s32 $0x8;
	s22 =	simm.s32 $0x0  }
0x7: {  	s5 =	sand.u32 $0x1, s0;
	s0 =	rddreg [dreg:$0x4];
	s10 =	smul.u32 $0x2780, s1  }
0x8: {  	[smem:$0x7FF] =	sst s4;
	s12 =	smul.u32 $0x9E00, s1;
	s15 =	sshll.u32 s1, $0x6  }
0x9: {  	s7 =	sshll.u32 s5, $0x4;
	_ =	strace $0x80000047;
	s11 =	ssub.s32 $0x2, s5  }
0xa: {  	s5 =	sadd.s32 $0x1B600, s6;
	s15 =	sor.u32 $0x1C03, s15;
	s8 =	sor.u32 s1, s7  }
0xb: {  	s13 =	sshrl.u32 s10, $0x3;
	s14 =	sshrl.u32 s11, $0x1;
	s12 =	sor.u32 s7, s12  }
0xc: {  	s16 =	sadd.s32 s10, s2;
	s17 =	sadd.s32 s10, s3;
	s8 =	smul.u32 $0x500, s8  }
0xd: {  	s13 =	sadd.s32 s13, s6;
	s11 =	ssub.s32 s11, s14;
	s12 =	sshrl.u32 s12, $0x3  }
0xe: {  	s14 =	simm.s32 $0x5000;
	s16 =	sshrl.u32 s16, $0x3;
	s17 =	sshrl.u32 s17, $0x3  }
0xf: {  	s9 =	sadd.s32 s9, s12;
	s11 =	smax.u32 s11, $0x1;
	s8 =	sadd.s32 s8, s6  }
0x10: {  	s12 =	simm.s32 $0x3;
	s10 =	sadd.s32 $0x4, s9;
	s6 =	sadd.s32 $0xC600, s8  }
0x11: {  	s7 =	sadd.s32 $0x2600, s8;
	s8 =	sadd.s32 $0x16600, s13;
	s13 =	simm.s32 $0x2800  }
.LBB2_1:
0x12: {  	[tilespmem:s4], [sflag:$0x3] =	stream.linear.gather [hbm4b:s6+s4], $0x2800, $0x38;
	[tilespmem:$0xA700] =	vst v63  }
0x13: {  	_ =	swait.ge [sflag:s12], $0x2800  }
0x14: {  	[sflag:s12] =	ssyncset.done $0x0  }
0x15: {  	[sflag:s12] =	ssyncadd.s32 $0xFFFFD800  }
0x16: {  	[tilespmem:s13], [sflag:$0x3] =	stream.linear.gather [hbm4b:s7+s4], $0x2800, $0x38;
	[tilespmem:$0xA700] =	vst v63  }
0x17: {  	_ =	swait.ge [sflag:s12], $0x2800  }
0x18: {  	[sflag:s12] =	ssyncset.done $0x0  }
0x19: {  	[sflag:s12] =	ssyncadd.s32 $0xFFFFD800  }
0x1a: {  	[tilespmem:s14], [sflag:$0x3] =	stream.linear.gather [hbm4b:s5+s4], $0x800, $0x38;
	[tilespmem:$0xA700] =	vst v63  }
0x1b: {  	_ =	swait.ge [sflag:s12], $0x800  }
0x1c: {  	[sflag:s12] =	ssyncset.done $0x0  }
0x1d: {  	[sflag:s12] =	ssyncadd.s32 $0xFFFFF800  }
0x1e: {  	[spmem:s16], [sflag:s15] =	dma.local [hbm:s8], $0x4F0  }
0x1f: {  	_ =	swait.ge [sflag:s12], $0x4F0  }
0x20: {  	[sflag:s12] =	ssyncset.done $0x0  }
0x21: {  	[sflag:s12] =	ssyncadd.s32 $0xFFFFFB10  }
0x22: {  	[spmem:s17], [sflag:s15] =	dma.local [hbm:s8], $0x4F0  }
0x23: {  	_ =	swait.ge [sflag:s12], $0x4F0  }
0x24: {  	[sflag:s12] =	ssyncset.done $0x0  }
0x25: {  	[sflag:s12] =	ssyncadd.s32 $0xFFFFFB10  }
0x26: {  	s23 =	simm.s32 $0x0;
	[bflag:$0x0] =	sbarrier.arrive $0xFFFF  }
0x27: {  	[spmem:s2] =	stream.indirect.scatter.add.f32 [tilespmem:s14], [sflag:$0x1], $0x10, s23, s18, $0xb8;
	[tilespmem:$0xA700] =	vst v63  }
0x28: {  	s31 =	simm.s32 $0x2800  }
0x29: {  	[spmem:s3] =	stream.indirect.scatter.add.f32 [tilespmem:s14], [sflag:$0x2], $0x10, s31, s18, $0xb8;
	[tilespmem:$0xA700] =	vst v63  }
0x2a: {  	_ =	swait.ge [sflag:s19], $0x800  }
0x2b: {  	[sflag:s19] =	ssyncset.done $0x0  }
0x2c: {  	[sflag:s19] =	ssyncadd.s32 $0xFFFFF800  }
0x2d: {  	_ =	swait.ge [sflag:s20], $0x800  }
0x2e: {  	s24 =	simm.s32 $0x400;
	s23 =	simm.s32 $0x200;
	[sflag:s20] =	ssyncset.done $0x0  }
.LBB2_2:
0x2f: {  	s25 =	sshra.s32 s23, $0x2  }
0x30: {  	[sflag:s20] =	ssyncadd.s32 $0xFFFFF800;
	s23 =	smov.u32 s24;
	s26 =	sadd.s32 $0x200, s24  }
0x31: {  	[spmem:s2] =	stream.indirect.scatter.add.f32 [tilespmem:s14], [sflag:$0x1], $0x10, s25, s18, $0xb8;
	[tilespmem:$0xA700] =	vst v63  }
0x32: {  	p0 =	sne.s32 s24, $0x9E00;
	s24 =	sadd.s32 $0x2800, s25  }
0x33: {  	[spmem:s3] =	stream.indirect.scatter.add.f32 [tilespmem:s14], [sflag:$0x2], $0x10, s24, s18, $0xb8;
	[tilespmem:$0xA700] =	vst v63  }
.Ltmp0:
0x34: {  	_ =	swait.ge [sflag:s19], $0x800;
	(pc) =	sbr.rel @p0 .LBB2_2-.Ltmp0, $4  }
0x35: {  	[sflag:s19] =	ssyncset.done $0x0  }
0x36: {  	[sflag:s19] =	ssyncadd.s32 $0xFFFFF800  }
0x37: {  	_ =	swait.ge [sflag:s20], $0x800  }
0x38: {  	s24 =	smov.u32 s26;
	[sflag:s20] =	ssyncset.done $0x0  }
0x39: {  	s23 =	sshra.s32 s23, $0x2;
	[sflag:s20] =	ssyncadd.s32 $0xFFFFF800  }
0x3a: {  	[spmem:s2] =	stream.indirect.scatter.add.f32 [tilespmem:s14], [sflag:$0x1], $0x10, s23, s18, $0xb8;
	[tilespmem:$0xA700] =	vst v63  }
0x3b: {  	s23 =	sadd.s32 $0x2800, s23  }
0x3c: {  	[spmem:s3] =	stream.indirect.scatter.add.f32 [tilespmem:s14], [sflag:$0x2], $0x10, s23, s18, $0xb8;
	[tilespmem:$0xA700] =	vst v63  }
0x3d: {  	_ =	swait.ge [sflag:s19], $0x800  }
0x3e: {  	[sflag:s19] =	ssyncset.done $0x0  }
0x3f: {  	[sflag:s19] =	ssyncadd.s32 $0xFFFFF800  }
0x40: {  	_ =	swait.ge [sflag:s20], $0x800  }
0x41: {  	[sflag:s20] =	ssyncset.done $0x0  }
0x42: {  	[sflag:s20] =	ssyncadd.s32 $0xFFFFF800  }
0x43: {  	[bflag:$0x0] =	sbarrier.arrive $0xFFFF  }
0x44: {  	[hbm:s9@s21], [sflag:s15] =	dma.strided [spmem:s16@s20], $0x4F0, s19, $0x2   }
0x45: {  	s22 =	sadd.s32 $0x1, s22;
	_ =	swait.ge [sflag:s12], $0x4F0  }
0x46: {  	p0 =	sne.s32 s22, s11;
	[sflag:s12] =	ssyncset.done $0x0  }
.Ltmp1:
0x47: {  	[sflag:s12] =	ssyncadd.s32 $0xFFFFFB10;
	(pc) =	sbr.rel @p0 .LBB2_1-.Ltmp1, $4  }
0x48: {  	[hbm:s10@s21], [sflag:s15] =	dma.strided [spmem:s17@s20], $0x4F0, s19, $0x2   }
0x49: {  	_ =	swait.ge [sflag:s12], $0x4F0  }
0x4a: {  	[sflag:s12] =	ssyncset.done $0x0  }
0x4b: {  	[sflag:s12] =	ssyncadd.s32 $0xFFFFFB10  }
0x4c: {  	_ =	sfence.sel $0x180000  }
0x4d: {  	[bflag:$0x0] =	sbarrier.arrive $0xFFFF  }
0x4e: {  	p0 =	sne.s32 s1, $0x0;
	_ =	strace $0x90000047  }
0x4f: {  	s0 =	sadd.s32 @!p0 $0x100000, s0;
	[bflag:$0x2] =	sbarrier.arrive $0xFFFF  }
0x50: {  	[sflag:s0] =	ssyncadd.tile.s32 @!p0 $0x1;
	_ =	shalt  }
.Lfunc_end2:
_tile_overlayer_lowered:
.L_overlay_start_2:
0x51: {  	(tag) =	ssettag $0x2  }
0x52: {  	s0 =	rddreg [dreg:$0x0];
	s2 =	stileid.u32  }
0x53: {  	s1 =	rddreg [dreg:$0x1];
	p0 =	sne.s32 s2, $0x0  }
0x54: {  	s3 =	rddreg [dreg:$0x2];
	[bflag:$0x3] =	sbarrier.arrive $0xFFFF;
	s2 =	simm.s32 @!p0 $0x1C03  }
0x55: {  	[timem:s3], [sflag:s2] =	dma.local @!p0 [hbm:s0], s1  }
0x56: {  	s0 =	simm.s32 @!p0 $0x3  }
0x57: {  	_ =	swait.ge @!p0 [sflag:s0], s1  }
0x58: {  	s1 =	ssub.s32 @!p0 $0x0, s1;
	[sflag:s0] =	ssyncset.done @!p0 $0x0  }
0x59: {  	[sflag:s0] =	ssyncadd.s32 @!p0 s1  }
0x5a: {  	[bflag:$0x3] =	sbarrier.arrive $0xFFFF  }
0x5b: {  	_ =	shalt  }

</sc_bundles>
